<compile_context>
chip_gen: v7x
topology: tpu7x:2x2x1
jax: 0.10.2.dev20260603
libtpu: 0.0.44.dev20260713+nightly
codegen_flags: <defaults>
</compile_context>

<pallas_src>
import functools

import jax
import jax.numpy as jnp
from jax import lax
from jax.experimental import pallas as pl
from jax.experimental.pallas import tpu as pltpu
from jax.experimental.pallas import tpu_sc as plsc

_N = 100000
_E = 6400000
_NC = 2
_NS = 16
_LN2 = 0.6931471805599453

_NPAD = 100352
_SEG = _NPAD // _NS
_CHUNK = 4096
_CHUNKS_PER_W = 49
_EPAD = _NC * _NS * _CHUNKS_PER_W * _CHUNK

_BUF_NAMES = ["sidx", "ridx", "bsx", "bsy", "bsz",
              "gsx", "gsy", "gsz", "grx", "gry", "grz", "ev"]


def _sc_energies(snd, rcv, shx, shy, shz, px, py, pz, zeros):
    mesh = plsc.VectorSubcoreMesh(core_axis_name="c", subcore_axis_name="s")

    def buf_types():
        return [pltpu.VMEM((_CHUNK,), jnp.int32)] * 2 + \
               [pltpu.VMEM((_CHUNK,), jnp.float32)] * 10

    scratch = [pltpu.VMEM_SHARED((_NPAD,), jnp.float32)] * 4
    scratch += buf_types() + buf_types()
    scratch += [pltpu.SemaphoreType.DMA] * 3

    @functools.partial(
        pl.kernel,
        out_type=jax.ShapeDtypeStruct((_NC, _NPAD), jnp.float32),
        mesh=mesh,
        scratch_types=scratch,
    )
    def k(snd_r, rcv_r, shx_r, shy_r, shz_r, px_r, py_r, pz_r, z_r, out,
          spx, spy, spz, acc, *rest):
        nb = len(_BUF_NAMES)
        bufa = dict(zip(_BUF_NAMES, rest[:nb]))
        bufb = dict(zip(_BUF_NAMES, rest[nb:2 * nb]))
        sem_ld, sem_g, sem_sc = rest[2 * nb:]

        cid = lax.axis_index("c")
        sid = lax.axis_index("s")
        seg = pl.ds(sid * _SEG, _SEG)
        pltpu.sync_copy(px_r.at[seg], spx.at[seg])
        pltpu.sync_copy(py_r.at[seg], spy.at[seg])
        pltpu.sync_copy(pz_r.at[seg], spz.at[seg])
        pltpu.sync_copy(z_r.at[seg], acc.at[seg])
        plsc.subcore_barrier()

        w = cid * _NS + sid
        base = w * _CHUNKS_PER_W

        def issue_loads(kk, b):
            es = pl.ds((base + kk) * _CHUNK, _CHUNK)
            return [
                pltpu.async_copy(snd_r.at[es], b["sidx"], sem_ld),
                pltpu.async_copy(rcv_r.at[es], b["ridx"], sem_ld),
                pltpu.async_copy(shx_r.at[es], b["bsx"], sem_ld),
                pltpu.async_copy(shy_r.at[es], b["bsy"], sem_ld),
                pltpu.async_copy(shz_r.at[es], b["bsz"], sem_ld),
            ]

        def issue_gathers(b):
            return [
                pltpu.async_copy(spx.at[b["sidx"]], b["gsx"], sem_g),
                pltpu.async_copy(spy.at[b["sidx"]], b["gsy"], sem_g),
                pltpu.async_copy(spz.at[b["sidx"]], b["gsz"], sem_g),
                pltpu.async_copy(spx.at[b["ridx"]], b["grx"], sem_g),
                pltpu.async_copy(spy.at[b["ridx"]], b["gry"], sem_g),
                pltpu.async_copy(spz.at[b["ridx"]], b["grz"], sem_g),
            ]

        def drain(cps):
            for cp in cps:
                cp.wait()

        def compute(b):
            gsx, gsy, gsz = b["gsx"], b["gsy"], b["gsz"]
            grx, gry, grz = b["grx"], b["gry"], b["grz"]
            bsx, bsy, bsz = b["bsx"], b["bsy"], b["bsz"]
            ev = b["ev"]

            def group_body(j, jcarry):
                cs = pl.ds(j * 16, 16)
                dx = grx[cs] - gsx[cs] + bsx[cs]
                dy = gry[cs] - gsy[cs] + bsy[cs]
                dz = grz[cs] - gsz[cs] + bsz[cs]
                d2 = jnp.maximum(dx * dx + dy * dy + dz * dz,
                                 jnp.float32(1e-35))
                bits = lax.bitcast_convert_type(d2, jnp.int32)
                rsq = lax.bitcast_convert_type(0x5F3759DF - (bits >> 1),
                                               jnp.float32)
                hd2 = 0.5 * d2
                rsq = rsq * (1.5 - hd2 * rsq * rsq)
                rsq = rsq * (1.5 - hd2 * rsq * rsq)
                rsq = rsq * (1.5 - hd2 * rsq * rsq)
                ln = d2 * rsq
                ev[cs] = jnp.exp(-2.0 * ln - _LN2)
                return jcarry

            lax.fori_loop(0, _CHUNK // 16, group_body, 0)

        def issue_scatter(b):
            return [pltpu.async_copy(b["ev"], acc.at[b["ridx"]], sem_sc,
                                     add=True)]

        def pair_body(i, carry):
            la = issue_loads(2 * i, bufa)
            drain(la)
            ga = issue_gathers(bufa)
            lb = issue_loads(2 * i + 1, bufb)
            drain(ga)
            compute(bufa)
            sca = issue_scatter(bufa)
            drain(lb)
            gb = issue_gathers(bufb)
            drain(gb)
            compute(bufb)
            scb = issue_scatter(bufb)
            drain(sca)
            drain(scb)
            return carry

        lax.fori_loop(0, _CHUNKS_PER_W // 2, pair_body, 0)

        lt = issue_loads(_CHUNKS_PER_W - 1, bufa)
        drain(lt)
        gt = issue_gathers(bufa)
        drain(gt)
        compute(bufa)
        sct = issue_scatter(bufa)
        drain(sct)

        plsc.subcore_barrier()
        pltpu.sync_copy(acc.at[seg], out.at[cid, seg])

    return k(snd, rcv, shx, shy, shz, px, py, pz, zeros)


def _combine(partials):
    def body(p_ref, o_ref):
        o_ref[...] = p_ref[0, :] + p_ref[1, :]

    return pl.pallas_call(
        body,
        out_shape=jax.ShapeDtypeStruct((_NPAD,), jnp.float32),
    )(partials)


def kernel(positions, edge_index, shifts):
    pad_e = _EPAD - _E
    snd = jnp.concatenate([edge_index[0], jnp.zeros((pad_e,), jnp.int32)])
    rcv = jnp.concatenate([edge_index[1], jnp.full((pad_e,), _N, jnp.int32)])
    zpad_e = jnp.zeros((pad_e,), jnp.float32)
    st = shifts.T
    shx = jnp.concatenate([st[0], zpad_e])
    shy = jnp.concatenate([st[1], zpad_e])
    shz = jnp.concatenate([st[2], zpad_e])
    pt = positions.T
    zpad_n = jnp.zeros((_NPAD - _N,), jnp.float32)
    px = jnp.concatenate([pt[0], zpad_n])
    py = jnp.concatenate([pt[1], zpad_n])
    pz = jnp.concatenate([pt[2], zpad_n])
    zeros = jnp.zeros((_NPAD,), jnp.float32)
    partials = _sc_energies(snd, rcv, shx, shy, shz, px, py, pz, zeros)
    return _combine(partials)[:_N]

# --- scband reference (transcript-rebuilt; emitter-appended) ---
"""Pipeline reference for scband-exponential-repulsion-block-81982335746189 (READ-ONLY COPY).

The authoritative reference and input builder live on the scoring server;
editing this copy changes nothing except your own understanding.
"""

import jax, jax.numpy as jnp
import numpy as np

ALPHA = 2.0
N_NODES = 100000
N_EDGES = 6400000


def setup_inputs(seed: int = 0) -> dict:
    key = jax.random.key(seed)
    k1, k2, k3 = jax.random.split(key, 3)
    positions = jax.random.normal(k1, (N_NODES, 3), dtype=jnp.float32)
    edge_index = jax.random.randint(k2, (2, N_EDGES), 0, N_NODES, dtype=jnp.int32)
    shifts = jax.random.normal(k3, (N_EDGES, 3), dtype=jnp.float32)
    return {"positions": positions, "edge_index": edge_index, "shifts": shifts}


def reference(positions, edge_index, shifts):
    # get_edge_vectors_and_lengths (MACE convention):
    sender = edge_index[0]
    receiver = edge_index[1]
    vectors = positions[receiver] - positions[sender] + shifts  # gather: [E, 3]
    lengths = jnp.linalg.norm(vectors, axis=-1)  # [E] (squeeze of keepdim norm)
    all_energies = jnp.exp(-ALPHA * lengths)  # [E]
    # 0.5 * scatter_sum over receiver -> per-node energies
    energies = 0.5 * jax.ops.segment_sum(all_energies, receiver, num_segments=N_NODES)
    return energies

if __name__ == "__main__":
    import jax
    _d = setup_inputs()
    print(jax.jit(kernel)(*tuple(_d.values())))

</pallas_src>

<mosaic_0001>
#map = affine_map<(d0, d1) -> (0)>
#map1 = affine_map<(d0, d1) -> (0, 0)>
module attributes {stable_mosaic.version = 14 : i64} {
  func.func @k(%arg0: i32, %arg1: i32, %arg2: memref<6422528xi32, #tpu.memory_space<hbm>>, %arg3: memref<6422528xi32, #tpu.memory_space<hbm>>, %arg4: memref<6422528xf32, #tpu.memory_space<hbm>>, %arg5: memref<6422528xf32, #tpu.memory_space<hbm>>, %arg6: memref<6422528xf32, #tpu.memory_space<hbm>>, %arg7: memref<100352xf32, #tpu.memory_space<hbm>>, %arg8: memref<100352xf32, #tpu.memory_space<hbm>>, %arg9: memref<100352xf32, #tpu.memory_space<hbm>>, %arg10: memref<100352xf32, #tpu.memory_space<hbm>>, %arg11: memref<2x100352xf32, #tpu.memory_space<hbm>>, %arg12: memref<100352xf32, #tpu.memory_space<vmem_shared>>, %arg13: memref<100352xf32, #tpu.memory_space<vmem_shared>>, %arg14: memref<100352xf32, #tpu.memory_space<vmem_shared>>, %arg15: memref<100352xf32, #tpu.memory_space<vmem_shared>>, %arg16: memref<4096xi32, #tpu.memory_space<vmem>>, %arg17: memref<4096xi32, #tpu.memory_space<vmem>>, %arg18: memref<4096xf32, #tpu.memory_space<vmem>>, %arg19: memref<4096xf32, #tpu.memory_space<vmem>>, %arg20: memref<4096xf32, #tpu.memory_space<vmem>>, %arg21: memref<4096xf32, #tpu.memory_space<vmem>>, %arg22: memref<4096xf32, #tpu.memory_space<vmem>>, %arg23: memref<4096xf32, #tpu.memory_space<vmem>>, %arg24: memref<4096xf32, #tpu.memory_space<vmem>>, %arg25: memref<4096xf32, #tpu.memory_space<vmem>>, %arg26: memref<4096xf32, #tpu.memory_space<vmem>>, %arg27: memref<4096xf32, #tpu.memory_space<vmem>>, %arg28: memref<4096xi32, #tpu.memory_space<vmem>>, %arg29: memref<4096xi32, #tpu.memory_space<vmem>>, %arg30: memref<4096xf32, #tpu.memory_space<vmem>>, %arg31: memref<4096xf32, #tpu.memory_space<vmem>>, %arg32: memref<4096xf32, #tpu.memory_space<vmem>>, %arg33: memref<4096xf32, #tpu.memory_space<vmem>>, %arg34: memref<4096xf32, #tpu.memory_space<vmem>>, %arg35: memref<4096xf32, #tpu.memory_space<vmem>>, %arg36: memref<4096xf32, #tpu.memory_space<vmem>>, %arg37: memref<4096xf32, #tpu.memory_space<vmem>>, %arg38: memref<4096xf32, #tpu.memory_space<vmem>>, %arg39: memref<4096xf32, #tpu.memory_space<vmem>>, %arg40: memref<!tpu.dma_semaphore, #tpu.memory_space<semaphore_mem>>, %arg41: memref<!tpu.dma_semaphore, #tpu.memory_space<semaphore_mem>>, %arg42: memref<!tpu.dma_semaphore, #tpu.memory_space<semaphore_mem>>) attributes {dimension_semantics = [#tpu.dimension_semantics<core_parallel>, #tpu.dimension_semantics<subcore_parallel>], iteration_bounds = array<i64: 2, 16>, scalar_prefetch = 0 : i64, scratch_operands = 31 : i64, tpu.core_type = #tpu.core_type<sc_vector_subcore>, window_params = [{transform_indices = #map}, {transform_indices = #map}, {transform_indices = #map}, {transform_indices = #map}, {transform_indices = #map}, {transform_indices = #map}, {transform_indices = #map}, {transform_indices = #map}, {transform_indices = #map}, {transform_indices = #map1}]} {
    %mul3A = arith.constant 6272 : i32
    %mul3A_0 = arith.muli %arg1, %mul3A : i32
    "tpu.region"() ({
      %run_scoped3A = tpu.sem_alloc : memref<!tpu.dma_semaphore, #tpu.memory_space<semaphore_mem>>
      %dma_start3A_67 = tpu.memref_slice %arg12[%mul3A_0] : memref<100352xf32, #tpu.memory_space<vmem_shared>> -> memref<6272xf32, #tpu.memory_space<vmem_shared>>
      %dma_start3A_68 = tpu.memref_slice %arg7[%mul3A_0] : memref<100352xf32, #tpu.memory_space<hbm>> -> memref<6272xf32, #tpu.memory_space<hbm>>
      tpu.enqueue_dma source(%dma_start3A_68 : memref<6272xf32, #tpu.memory_space<hbm>>) target(%dma_start3A_67 : memref<6272xf32, #tpu.memory_space<vmem_shared>>) target_semaphore(%run_scoped3A : memref<!tpu.dma_semaphore, #tpu.memory_space<semaphore_mem>>)
      %dma_wait3A_69 = tpu.memref_slice %arg12[%mul3A_0] : memref<100352xf32, #tpu.memory_space<vmem_shared>> -> memref<6272xf32, #tpu.memory_space<vmem_shared>>
      %dma_wait3A_70 = tpu.memref_slice %arg7[%mul3A_0] : memref<100352xf32, #tpu.memory_space<hbm>> -> memref<6272xf32, #tpu.memory_space<hbm>>
      tpu.wait_dma2 semaphore(%run_scoped3A : memref<!tpu.dma_semaphore, #tpu.memory_space<semaphore_mem>>) src(%dma_wait3A_70 : memref<6272xf32, #tpu.memory_space<hbm>>) dst(%dma_wait3A_69 : memref<6272xf32, #tpu.memory_space<vmem_shared>>)
      tpu.yield
    }) : () -> ()
    "tpu.region"() ({
      %run_scoped3A = tpu.sem_alloc : memref<!tpu.dma_semaphore, #tpu.memory_space<semaphore_mem>>
      %dma_start3A_67 = tpu.memref_slice %arg13[%mul3A_0] : memref<100352xf32, #tpu.memory_space<vmem_shared>> -> memref<6272xf32, #tpu.memory_space<vmem_shared>>
      %dma_start3A_68 = tpu.memref_slice %arg8[%mul3A_0] : memref<100352xf32, #tpu.memory_space<hbm>> -> memref<6272xf32, #tpu.memory_space<hbm>>
      tpu.enqueue_dma source(%dma_start3A_68 : memref<6272xf32, #tpu.memory_space<hbm>>) target(%dma_start3A_67 : memref<6272xf32, #tpu.memory_space<vmem_shared>>) target_semaphore(%run_scoped3A : memref<!tpu.dma_semaphore, #tpu.memory_space<semaphore_mem>>)
      %dma_wait3A_69 = tpu.memref_slice %arg13[%mul3A_0] : memref<100352xf32, #tpu.memory_space<vmem_shared>> -> memref<6272xf32, #tpu.memory_space<vmem_shared>>
      %dma_wait3A_70 = tpu.memref_slice %arg8[%mul3A_0] : memref<100352xf32, #tpu.memory_space<hbm>> -> memref<6272xf32, #tpu.memory_space<hbm>>
      tpu.wait_dma2 semaphore(%run_scoped3A : memref<!tpu.dma_semaphore, #tpu.memory_space<semaphore_mem>>) src(%dma_wait3A_70 : memref<6272xf32, #tpu.memory_space<hbm>>) dst(%dma_wait3A_69 : memref<6272xf32, #tpu.memory_space<vmem_shared>>)
      tpu.yield
    }) : () -> ()
    "tpu.region"() ({
      %run_scoped3A = tpu.sem_alloc : memref<!tpu.dma_semaphore, #tpu.memory_space<semaphore_mem>>
      %dma_start3A_67 = tpu.memref_slice %arg14[%mul3A_0] : memref<100352xf32, #tpu.memory_space<vmem_shared>> -> memref<6272xf32, #tpu.memory_space<vmem_shared>>
      %dma_start3A_68 = tpu.memref_slice %arg9[%mul3A_0] : memref<100352xf32, #tpu.memory_space<hbm>> -> memref<6272xf32, #tpu.memory_space<hbm>>
      tpu.enqueue_dma source(%dma_start3A_68 : memref<6272xf32, #tpu.memory_space<hbm>>) target(%dma_start3A_67 : memref<6272xf32, #tpu.memory_space<vmem_shared>>) target_semaphore(%run_scoped3A : memref<!tpu.dma_semaphore, #tpu.memory_space<semaphore_mem>>)
      %dma_wait3A_69 = tpu.memref_slice %arg14[%mul3A_0] : memref<100352xf32, #tpu.memory_space<vmem_shared>> -> memref<6272xf32, #tpu.memory_space<vmem_shared>>
      %dma_wait3A_70 = tpu.memref_slice %arg9[%mul3A_0] : memref<100352xf32, #tpu.memory_space<hbm>> -> memref<6272xf32, #tpu.memory_space<hbm>>
      tpu.wait_dma2 semaphore(%run_scoped3A : memref<!tpu.dma_semaphore, #tpu.memory_space<semaphore_mem>>) src(%dma_wait3A_70 : memref<6272xf32, #tpu.memory_space<hbm>>) dst(%dma_wait3A_69 : memref<6272xf32, #tpu.memory_space<vmem_shared>>)
      tpu.yield
    }) : () -> ()
    "tpu.region"() ({
      %run_scoped3A = tpu.sem_alloc : memref<!tpu.dma_semaphore, #tpu.memory_space<semaphore_mem>>
      %dma_start3A_67 = tpu.memref_slice %arg15[%mul3A_0] : memref<100352xf32, #tpu.memory_space<vmem_shared>> -> memref<6272xf32, #tpu.memory_space<vmem_shared>>
      %dma_start3A_68 = tpu.memref_slice %arg10[%mul3A_0] : memref<100352xf32, #tpu.memory_space<hbm>> -> memref<6272xf32, #tpu.memory_space<hbm>>
      tpu.enqueue_dma source(%dma_start3A_68 : memref<6272xf32, #tpu.memory_space<hbm>>) target(%dma_start3A_67 : memref<6272xf32, #tpu.memory_space<vmem_shared>>) target_semaphore(%run_scoped3A : memref<!tpu.dma_semaphore, #tpu.memory_space<semaphore_mem>>)
      %dma_wait3A_69 = tpu.memref_slice %arg15[%mul3A_0] : memref<100352xf32, #tpu.memory_space<vmem_shared>> -> memref<6272xf32, #tpu.memory_space<vmem_shared>>
      %dma_wait3A_70 = tpu.memref_slice %arg10[%mul3A_0] : memref<100352xf32, #tpu.memory_space<hbm>> -> memref<6272xf32, #tpu.memory_space<hbm>>
      tpu.wait_dma2 semaphore(%run_scoped3A : memref<!tpu.dma_semaphore, #tpu.memory_space<semaphore_mem>>) src(%dma_wait3A_70 : memref<6272xf32, #tpu.memory_space<hbm>>) dst(%dma_wait3A_69 : memref<6272xf32, #tpu.memory_space<vmem_shared>>)
      tpu.yield
    }) : () -> ()
    %barrier3A = arith.constant 0 : index
    tpu.barrier barrier_id(%barrier3A)
    %mul3A_1 = arith.constant 16 : i32
    %mul3A_2 = arith.muli %arg0, %mul3A_1 : i32
    %add3A = arith.addi %mul3A_2, %arg1 : i32
    %mul3A_3 = arith.constant 49 : i32
    %mul3A_4 = arith.muli %add3A, %mul3A_3 : i32
    %scan3A = arith.constant 0 : i32
    %scan3A_5 = arith.constant 0 : i32
    %scan3A_6 = arith.constant 24 : i32
    %scan3A_7 = arith.addi %scan3A_5, %scan3A_6 : i32
    %scan3A_8 = arith.constant 1 : i32
    scf.for %scan3A_67 = %scan3A_5 to %scan3A_7 step %scan3A_8  : i32 {
      %mul3A_68 = arith.constant 2 : i32
      %mul3A_69 = arith.muli %mul3A_68, %scan3A_67 : i32
      %add3A_70 = arith.addi %mul3A_4, %mul3A_69 : i32
      %mul3A_71 = arith.constant 4096 : i32
      %mul3A_72 = arith.muli %add3A_70, %mul3A_71 : i32
      %dma_start3A_73 = tpu.memref_slice %arg2[%mul3A_72] : memref<6422528xi32, #tpu.memory_space<hbm>> -> memref<4096xi32, #tpu.memory_space<hbm>>
      %dma_start3A_74 = tpu.memref_slice %arg2[%mul3A_72] : memref<6422528xi32, #tpu.memory_space<hbm>> -> memref<4096xi32, #tpu.memory_space<hbm>>
      tpu.enqueue_dma source(%dma_start3A_74 : memref<4096xi32, #tpu.memory_space<hbm>>) target(%arg16 : memref<4096xi32, #tpu.memory_space<vmem>>) target_semaphore(%arg40 : memref<!tpu.dma_semaphore, #tpu.memory_space<semaphore_mem>>)
      %dma_start3A_75 = tpu.memref_slice %arg3[%mul3A_72] : memref<6422528xi32, #tpu.memory_space<hbm>> -> memref<4096xi32, #tpu.memory_space<hbm>>
      %dma_start3A_76 = tpu.memref_slice %arg3[%mul3A_72] : memref<6422528xi32, #tpu.memory_space<hbm>> -> memref<4096xi32, #tpu.memory_space<hbm>>
      tpu.enqueue_dma source(%dma_start3A_76 : memref<4096xi32, #tpu.memory_space<hbm>>) target(%arg17 : memref<4096xi32, #tpu.memory_space<vmem>>) target_semaphore(%arg40 : memref<!tpu.dma_semaphore, #tpu.memory_space<semaphore_mem>>)
      %dma_start3A_77 = tpu.memref_slice %arg4[%mul3A_72] : memref<6422528xf32, #tpu.memory_space<hbm>> -> memref<4096xf32, #tpu.memory_space<hbm>>
      %dma_start3A_78 = tpu.memref_slice %arg4[%mul3A_72] : memref<6422528xf32, #tpu.memory_space<hbm>> -> memref<4096xf32, #tpu.memory_space<hbm>>
      tpu.enqueue_dma source(%dma_start3A_78 : memref<4096xf32, #tpu.memory_space<hbm>>) target(%arg18 : memref<4096xf32, #tpu.memory_space<vmem>>) target_semaphore(%arg40 : memref<!tpu.dma_semaphore, #tpu.memory_space<semaphore_mem>>)
      %dma_start3A_79 = tpu.memref_slice %arg5[%mul3A_72] : memref<6422528xf32, #tpu.memory_space<hbm>> -> memref<4096xf32, #tpu.memory_space<hbm>>
      %dma_start3A_80 = tpu.memref_slice %arg5[%mul3A_72] : memref<6422528xf32, #tpu.memory_space<hbm>> -> memref<4096xf32, #tpu.memory_space<hbm>>
      tpu.enqueue_dma source(%dma_start3A_80 : memref<4096xf32, #tpu.memory_space<hbm>>) target(%arg19 : memref<4096xf32, #tpu.memory_space<vmem>>) target_semaphore(%arg40 : memref<!tpu.dma_semaphore, #tpu.memory_space<semaphore_mem>>)
      %dma_start3A_81 = tpu.memref_slice %arg6[%mul3A_72] : memref<6422528xf32, #tpu.memory_space<hbm>> -> memref<4096xf32, #tpu.memory_space<hbm>>
      %dma_start3A_82 = tpu.memref_slice %arg6[%mul3A_72] : memref<6422528xf32, #tpu.memory_space<hbm>> -> memref<4096xf32, #tpu.memory_space<hbm>>
      tpu.enqueue_dma source(%dma_start3A_82 : memref<4096xf32, #tpu.memory_space<hbm>>) target(%arg20 : memref<4096xf32, #tpu.memory_space<vmem>>) target_semaphore(%arg40 : memref<!tpu.dma_semaphore, #tpu.memory_space<semaphore_mem>>)
      %dma_wait3A_83 = tpu.memref_slice %arg2[%mul3A_72] : memref<6422528xi32, #tpu.memory_space<hbm>> -> memref<4096xi32, #tpu.memory_space<hbm>>
      %dma_wait3A_84 = tpu.memref_slice %arg2[%mul3A_72] : memref<6422528xi32, #tpu.memory_space<hbm>> -> memref<4096xi32, #tpu.memory_space<hbm>>
      tpu.wait_dma2 semaphore(%arg40 : memref<!tpu.dma_semaphore, #tpu.memory_space<semaphore_mem>>) src(%dma_wait3A_84 : memref<4096xi32, #tpu.memory_space<hbm>>) dst(%arg16 : memref<4096xi32, #tpu.memory_space<vmem>>)
      %dma_wait3A_85 = tpu.memref_slice %arg3[%mul3A_72] : memref<6422528xi32, #tpu.memory_space<hbm>> -> memref<4096xi32, #tpu.memory_space<hbm>>
      %dma_wait3A_86 = tpu.memref_slice %arg3[%mul3A_72] : memref<6422528xi32, #tpu.memory_space<hbm>> -> memref<4096xi32, #tpu.memory_space<hbm>>
      tpu.wait_dma2 semaphore(%arg40 : memref<!tpu.dma_semaphore, #tpu.memory_space<semaphore_mem>>) src(%dma_wait3A_86 : memref<4096xi32, #tpu.memory_space<hbm>>) dst(%arg17 : memref<4096xi32, #tpu.memory_space<vmem>>)
      %dma_wait3A_87 = tpu.memref_slice %arg4[%mul3A_72] : memref<6422528xf32, #tpu.memory_space<hbm>> -> memref<4096xf32, #tpu.memory_space<hbm>>
      %dma_wait3A_88 = tpu.memref_slice %arg4[%mul3A_72] : memref<6422528xf32, #tpu.memory_space<hbm>> -> memref<4096xf32, #tpu.memory_space<hbm>>
      tpu.wait_dma2 semaphore(%arg40 : memref<!tpu.dma_semaphore, #tpu.memory_space<semaphore_mem>>) src(%dma_wait3A_88 : memref<4096xf32, #tpu.memory_space<hbm>>) dst(%arg18 : memref<4096xf32, #tpu.memory_space<vmem>>)
      %dma_wait3A_89 = tpu.memref_slice %arg5[%mul3A_72] : memref<6422528xf32, #tpu.memory_space<hbm>> -> memref<4096xf32, #tpu.memory_space<hbm>>
      %dma_wait3A_90 = tpu.memref_slice %arg5[%mul3A_72] : memref<6422528xf32, #tpu.memory_space<hbm>> -> memref<4096xf32, #tpu.memory_space<hbm>>
      tpu.wait_dma2 semaphore(%arg40 : memref<!tpu.dma_semaphore, #tpu.memory_space<semaphore_mem>>) src(%dma_wait3A_90 : memref<4096xf32, #tpu.memory_space<hbm>>) dst(%arg19 : memref<4096xf32, #tpu.memory_space<vmem>>)
      %dma_wait3A_91 = tpu.memref_slice %arg6[%mul3A_72] : memref<6422528xf32, #tpu.memory_space<hbm>> -> memref<4096xf32, #tpu.memory_space<hbm>>
      %dma_wait3A_92 = tpu.memref_slice %arg6[%mul3A_72] : memref<6422528xf32, #tpu.memory_space<hbm>> -> memref<4096xf32, #tpu.memory_space<hbm>>
      tpu.wait_dma2 semaphore(%arg40 : memref<!tpu.dma_semaphore, #tpu.memory_space<semaphore_mem>>) src(%dma_wait3A_92 : memref<4096xf32, #tpu.memory_space<hbm>>) dst(%arg20 : memref<4096xf32, #tpu.memory_space<vmem>>)
      %dma_start3A_93 = arith.constant 0 : i32
      %dma_start3A_94 = tpu.memref_slice %arg12[%dma_start3A_93] : memref<100352xf32, #tpu.memory_space<vmem_shared>> -> memref<100352xf32, #tpu.memory_space<vmem_shared>>
      tpu.enqueue_indirect_dma source(%dma_start3A_94 : memref<100352xf32, #tpu.memory_space<vmem_shared>>) target(%arg21 : memref<4096xf32, #tpu.memory_space<vmem>>) offsets(%arg16 : memref<4096xi32, #tpu.memory_space<vmem>>) semaphore(%arg41 : memref<!tpu.dma_semaphore, #tpu.memory_space<semaphore_mem>>)
      %dma_start3A_95 = arith.constant 0 : i32
      %dma_start3A_96 = tpu.memref_slice %arg13[%dma_start3A_95] : memref<100352xf32, #tpu.memory_space<vmem_shared>> -> memref<100352xf32, #tpu.memory_space<vmem_shared>>
      tpu.enqueue_indirect_dma source(%dma_start3A_96 : memref<100352xf32, #tpu.memory_space<vmem_shared>>) target(%arg22 : memref<4096xf32, #tpu.memory_space<vmem>>) offsets(%arg16 : memref<4096xi32, #tpu.memory_space<vmem>>) semaphore(%arg41 : memref<!tpu.dma_semaphore, #tpu.memory_space<semaphore_mem>>)
      %dma_start3A_97 = arith.constant 0 : i32
      %dma_start3A_98 = tpu.memref_slice %arg14[%dma_start3A_97] : memref<100352xf32, #tpu.memory_space<vmem_shared>> -> memref<100352xf32, #tpu.memory_space<vmem_shared>>
      tpu.enqueue_indirect_dma source(%dma_start3A_98 : memref<100352xf32, #tpu.memory_space<vmem_shared>>) target(%arg23 : memref<4096xf32, #tpu.memory_space<vmem>>) offsets(%arg16 : memref<4096xi32, #tpu.memory_space<vmem>>) semaphore(%arg41 : memref<!tpu.dma_semaphore, #tpu.memory_space<semaphore_mem>>)
      %dma_start3A_99 = arith.constant 0 : i32
      %dma_start3A_100 = tpu.memref_slice %arg12[%dma_start3A_99] : memref<100352xf32, #tpu.memory_space<vmem_shared>> -> memref<100352xf32, #tpu.memory_space<vmem_shared>>
      tpu.enqueue_indirect_dma source(%dma_start3A_100 : memref<100352xf32, #tpu.memory_space<vmem_shared>>) target(%arg24 : memref<4096xf32, #tpu.memory_space<vmem>>) offsets(%arg17 : memref<4096xi32, #tpu.memory_space<vmem>>) semaphore(%arg41 : memref<!tpu.dma_semaphore, #tpu.memory_space<semaphore_mem>>)
      %dma_start3A_101 = arith.constant 0 : i32
      %dma_start3A_102 = tpu.memref_slice %arg13[%dma_start3A_101] : memref<100352xf32, #tpu.memory_space<vmem_shared>> -> memref<100352xf32, #tpu.memory_space<vmem_shared>>
      tpu.enqueue_indirect_dma source(%dma_start3A_102 : memref<100352xf32, #tpu.memory_space<vmem_shared>>) target(%arg25 : memref<4096xf32, #tpu.memory_space<vmem>>) offsets(%arg17 : memref<4096xi32, #tpu.memory_space<vmem>>) semaphore(%arg41 : memref<!tpu.dma_semaphore, #tpu.memory_space<semaphore_mem>>)
      %dma_start3A_103 = arith.constant 0 : i32
      %dma_start3A_104 = tpu.memref_slice %arg14[%dma_start3A_103] : memref<100352xf32, #tpu.memory_space<vmem_shared>> -> memref<100352xf32, #tpu.memory_space<vmem_shared>>
      tpu.enqueue_indirect_dma source(%dma_start3A_104 : memref<100352xf32, #tpu.memory_space<vmem_shared>>) target(%arg26 : memref<4096xf32, #tpu.memory_space<vmem>>) offsets(%arg17 : memref<4096xi32, #tpu.memory_space<vmem>>) semaphore(%arg41 : memref<!tpu.dma_semaphore, #tpu.memory_space<semaphore_mem>>)
      %mul3A_105 = arith.constant 2 : i32
      %mul3A_106 = arith.muli %mul3A_105, %scan3A_67 : i32
      %add3A_107 = arith.constant 1 : i32
      %add3A_108 = arith.addi %mul3A_106, %add3A_107 : i32
      %add3A_109 = arith.addi %mul3A_4, %add3A_108 : i32
      %mul3A_110 = arith.constant 4096 : i32
      %mul3A_111 = arith.muli %add3A_109, %mul3A_110 : i32
      %dma_start3A_112 = tpu.memref_slice %arg2[%mul3A_111] : memref<6422528xi32, #tpu.memory_space<hbm>> -> memref<4096xi32, #tpu.memory_space<hbm>>
      %dma_start3A_113 = tpu.memref_slice %arg2[%mul3A_111] : memref<6422528xi32, #tpu.memory_space<hbm>> -> memref<4096xi32, #tpu.memory_space<hbm>>
      tpu.enqueue_dma source(%dma_start3A_113 : memref<4096xi32, #tpu.memory_space<hbm>>) target(%arg28 : memref<4096xi32, #tpu.memory_space<vmem>>) target_semaphore(%arg40 : memref<!tpu.dma_semaphore, #tpu.memory_space<semaphore_mem>>)
      %dma_start3A_114 = tpu.memref_slice %arg3[%mul3A_111] : memref<6422528xi32, #tpu.memory_space<hbm>> -> memref<4096xi32, #tpu.memory_space<hbm>>
      %dma_start3A_115 = tpu.memref_slice %arg3[%mul3A_111] : memref<6422528xi32, #tpu.memory_space<hbm>> -> memref<4096xi32, #tpu.memory_space<hbm>>
      tpu.enqueue_dma source(%dma_start3A_115 : memref<4096xi32, #tpu.memory_space<hbm>>) target(%arg29 : memref<4096xi32, #tpu.memory_space<vmem>>) target_semaphore(%arg40 : memref<!tpu.dma_semaphore, #tpu.memory_space<semaphore_mem>>)
      %dma_start3A_116 = tpu.memref_slice %arg4[%mul3A_111] : memref<6422528xf32, #tpu.memory_space<hbm>> -> memref<4096xf32, #tpu.memory_space<hbm>>
      %dma_start3A_117 = tpu.memref_slice %arg4[%mul3A_111] : memref<6422528xf32, #tpu.memory_space<hbm>> -> memref<4096xf32, #tpu.memory_space<hbm>>
      tpu.enqueue_dma source(%dma_start3A_117 : memref<4096xf32, #tpu.memory_space<hbm>>) target(%arg30 : memref<4096xf32, #tpu.memory_space<vmem>>) target_semaphore(%arg40 : memref<!tpu.dma_semaphore, #tpu.memory_space<semaphore_mem>>)
      %dma_start3A_118 = tpu.memref_slice %arg5[%mul3A_111] : memref<6422528xf32, #tpu.memory_space<hbm>> -> memref<4096xf32, #tpu.memory_space<hbm>>
      %dma_start3A_119 = tpu.memref_slice %arg5[%mul3A_111] : memref<6422528xf32, #tpu.memory_space<hbm>> -> memref<4096xf32, #tpu.memory_space<hbm>>
      tpu.enqueue_dma source(%dma_start3A_119 : memref<4096xf32, #tpu.memory_space<hbm>>) target(%arg31 : memref<4096xf32, #tpu.memory_space<vmem>>) target_semaphore(%arg40 : memref<!tpu.dma_semaphore, #tpu.memory_space<semaphore_mem>>)
      %dma_start3A_120 = tpu.memref_slice %arg6[%mul3A_111] : memref<6422528xf32, #tpu.memory_space<hbm>> -> memref<4096xf32, #tpu.memory_space<hbm>>
      %dma_start3A_121 = tpu.memref_slice %arg6[%mul3A_111] : memref<6422528xf32, #tpu.memory_space<hbm>> -> memref<4096xf32, #tpu.memory_space<hbm>>
      tpu.enqueue_dma source(%dma_start3A_121 : memref<4096xf32, #tpu.memory_space<hbm>>) target(%arg32 : memref<4096xf32, #tpu.memory_space<vmem>>) target_semaphore(%arg40 : memref<!tpu.dma_semaphore, #tpu.memory_space<semaphore_mem>>)
      %dma_wait3A_122 = arith.constant 0 : i32
      %dma_wait3A_123 = tpu.memref_slice %arg12[%dma_wait3A_122] : memref<100352xf32, #tpu.memory_space<vmem_shared>> -> memref<100352xf32, #tpu.memory_space<vmem_shared>>
      tpu.wait_indirect_dma semaphore(%arg41 : memref<!tpu.dma_semaphore, #tpu.memory_space<semaphore_mem>>) src(%dma_wait3A_123 : memref<100352xf32, #tpu.memory_space<vmem_shared>>) dst(%arg21 : memref<4096xf32, #tpu.memory_space<vmem>>)
      %dma_wait3A_124 = arith.constant 0 : i32
      %dma_wait3A_125 = tpu.memref_slice %arg13[%dma_wait3A_124] : memref<100352xf32, #tpu.memory_space<vmem_shared>> -> memref<100352xf32, #tpu.memory_space<vmem_shared>>
      tpu.wait_indirect_dma semaphore(%arg41 : memref<!tpu.dma_semaphore, #tpu.memory_space<semaphore_mem>>) src(%dma_wait3A_125 : memref<100352xf32, #tpu.memory_space<vmem_shared>>) dst(%arg22 : memref<4096xf32, #tpu.memory_space<vmem>>)
      %dma_wait3A_126 = arith.constant 0 : i32
      %dma_wait3A_127 = tpu.memref_slice %arg14[%dma_wait3A_126] : memref<100352xf32, #tpu.memory_space<vmem_shared>> -> memref<100352xf32, #tpu.memory_space<vmem_shared>>
      tpu.wait_indirect_dma semaphore(%arg41 : memref<!tpu.dma_semaphore, #tpu.memory_space<semaphore_mem>>) src(%dma_wait3A_127 : memref<100352xf32, #tpu.memory_space<vmem_shared>>) dst(%arg23 : memref<4096xf32, #tpu.memory_space<vmem>>)
      %dma_wait3A_128 = arith.constant 0 : i32
      %dma_wait3A_129 = tpu.memref_slice %arg12[%dma_wait3A_128] : memref<100352xf32, #tpu.memory_space<vmem_shared>> -> memref<100352xf32, #tpu.memory_space<vmem_shared>>
      tpu.wait_indirect_dma semaphore(%arg41 : memref<!tpu.dma_semaphore, #tpu.memory_space<semaphore_mem>>) src(%dma_wait3A_129 : memref<100352xf32, #tpu.memory_space<vmem_shared>>) dst(%arg24 : memref<4096xf32, #tpu.memory_space<vmem>>)
      %dma_wait3A_130 = arith.constant 0 : i32
      %dma_wait3A_131 = tpu.memref_slice %arg13[%dma_wait3A_130] : memref<100352xf32, #tpu.memory_space<vmem_shared>> -> memref<100352xf32, #tpu.memory_space<vmem_shared>>
      tpu.wait_indirect_dma semaphore(%arg41 : memref<!tpu.dma_semaphore, #tpu.memory_space<semaphore_mem>>) src(%dma_wait3A_131 : memref<100352xf32, #tpu.memory_space<vmem_shared>>) dst(%arg25 : memref<4096xf32, #tpu.memory_space<vmem>>)
      %dma_wait3A_132 = arith.constant 0 : i32
      %dma_wait3A_133 = tpu.memref_slice %arg14[%dma_wait3A_132] : memref<100352xf32, #tpu.memory_space<vmem_shared>> -> memref<100352xf32, #tpu.memory_space<vmem_shared>>
      tpu.wait_indirect_dma semaphore(%arg41 : memref<!tpu.dma_semaphore, #tpu.memory_space<semaphore_mem>>) src(%dma_wait3A_133 : memref<100352xf32, #tpu.memory_space<vmem_shared>>) dst(%arg26 : memref<4096xf32, #tpu.memory_space<vmem>>)
      %scan3A_134 = arith.constant 0 : i32
      %scan3A_135 = arith.constant 0 : i32
      %scan3A_136 = arith.constant 256 : i32
      %scan3A_137 = arith.addi %scan3A_135, %scan3A_136 : i32
      %scan3A_138 = arith.constant 1 : i32
      scf.for %scan3A_188 = %scan3A_135 to %scan3A_137 step %scan3A_138  : i32 {
        %mul3A_189 = arith.constant 16 : i32
        %mul3A_190 = arith.muli %scan3A_188, %mul3A_189 : i32
        %get3A = arith.index_cast %mul3A_190 : i32 to index
        %get3A_191 = tpu.vector_load %arg24[%get3A] {strides = array<i32>} : memref<4096xf32, #tpu.memory_space<vmem>>, vector<16xf32>,
        %get3A_192 = vector.shape_cast %get3A_191 : vector<16xf32> to vector<16xf32>
        %get3A_193 = arith.index_cast %mul3A_190 : i32 to index
        %get3A_194 = tpu.vector_load %arg21[%get3A_193] {strides = array<i32>} : memref<4096xf32, #tpu.memory_space<vmem>>, vector<16xf32>,
        %get3A_195 = vector.shape_cast %get3A_194 : vector<16xf32> to vector<16xf32>
        %sub3A = arith.subf %get3A_192, %get3A_195 : vector<16xf32>
        %get3A_196 = arith.index_cast %mul3A_190 : i32 to index
        %get3A_197 = tpu.vector_load %arg18[%get3A_196] {strides = array<i32>} : memref<4096xf32, #tpu.memory_space<vmem>>, vector<16xf32>,
        %get3A_198 = vector.shape_cast %get3A_197 : vector<16xf32> to vector<16xf32>
        %add3A_199 = arith.addf %sub3A, %get3A_198 : vector<16xf32>
        %get3A_200 = arith.index_cast %mul3A_190 : i32 to index
        %get3A_201 = tpu.vector_load %arg25[%get3A_200] {strides = array<i32>} : memref<4096xf32, #tpu.memory_space<vmem>>, vector<16xf32>,
        %get3A_202 = vector.shape_cast %get3A_201 : vector<16xf32> to vector<16xf32>
        %get3A_203 = arith.index_cast %mul3A_190 : i32 to index
        %get3A_204 = tpu.vector_load %arg22[%get3A_203] {strides = array<i32>} : memref<4096xf32, #tpu.memory_space<vmem>>, vector<16xf32>,
        %get3A_205 = vector.shape_cast %get3A_204 : vector<16xf32> to vector<16xf32>
        %sub3A_206 = arith.subf %get3A_202, %get3A_205 : vector<16xf32>
        %get3A_207 = arith.index_cast %mul3A_190 : i32 to index
        %get3A_208 = tpu.vector_load %arg19[%get3A_207] {strides = array<i32>} : memref<4096xf32, #tpu.memory_space<vmem>>, vector<16xf32>,
        %get3A_209 = vector.shape_cast %get3A_208 : vector<16xf32> to vector<16xf32>
        %add3A_210 = arith.addf %sub3A_206, %get3A_209 : vector<16xf32>
        %get3A_211 = arith.index_cast %mul3A_190 : i32 to index
        %get3A_212 = tpu.vector_load %arg26[%get3A_211] {strides = array<i32>} : memref<4096xf32, #tpu.memory_space<vmem>>, vector<16xf32>,
        %get3A_213 = vector.shape_cast %get3A_212 : vector<16xf32> to vector<16xf32>
        %get3A_214 = arith.index_cast %mul3A_190 : i32 to index
        %get3A_215 = tpu.vector_load %arg23[%get3A_214] {strides = array<i32>} : memref<4096xf32, #tpu.memory_space<vmem>>, vector<16xf32>,
        %get3A_216 = vector.shape_cast %get3A_215 : vector<16xf32> to vector<16xf32>
        %sub3A_217 = arith.subf %get3A_213, %get3A_216 : vector<16xf32>
        %get3A_218 = arith.index_cast %mul3A_190 : i32 to index
        %get3A_219 = tpu.vector_load %arg20[%get3A_218] {strides = array<i32>} : memref<4096xf32, #tpu.memory_space<vmem>>, vector<16xf32>,
        %get3A_220 = vector.shape_cast %get3A_219 : vector<16xf32> to vector<16xf32>
        %add3A_221 = arith.addf %sub3A_217, %get3A_220 : vector<16xf32>
        %mul3A_222 = arith.mulf %add3A_199, %add3A_199 : vector<16xf32>
        %mul3A_223 = arith.mulf %add3A_210, %add3A_210 : vector<16xf32>
        %add3A_224 = arith.addf %mul3A_222, %mul3A_223 : vector<16xf32>
        %mul3A_225 = arith.mulf %add3A_221, %add3A_221 : vector<16xf32>
        %add3A_226 = arith.addf %add3A_224, %mul3A_225 : vector<16xf32>
        %max3A = arith.constant 1.000000e-35 : f32
        %max3A_227 = vector.broadcast %max3A : f32 to vector<16xf32>
        %max3A_228 = arith.maximumf %add3A_226, %max3A_227 : vector<16xf32>
        %bitcast_convert_type3A = tpu.bitcast %max3A_228 : vector<16xf32> -> vector<16xi32>
        %shift_right_arithmetic3A = arith.constant 1 : i32
        %shift_right_arithmetic3A_229 = vector.broadcast %shift_right_arithmetic3A : i32 to vector<16xi32>
        %shift_right_arithmetic3A_230 = arith.shrsi %bitcast_convert_type3A, %shift_right_arithmetic3A_229 : vector<16xi32>
        %sub3A_231 = arith.constant 1597463007 : i32
        %sub3A_232 = vector.broadcast %sub3A_231 : i32 to vector<16xi32>
        %sub3A_233 = arith.subi %sub3A_232, %shift_right_arithmetic3A_230 : vector<16xi32>
        %bitcast_convert_type3A_234 = tpu.bitcast %sub3A_233 : vector<16xi32> -> vector<16xf32>
        %mul3A_235 = arith.constant 5.000000e-01 : f32
        %mul3A_236 = vector.broadcast %mul3A_235 : f32 to vector<16xf32>
        %mul3A_237 = arith.mulf %mul3A_236, %max3A_228 : vector<16xf32>
        %mul3A_238 = arith.mulf %mul3A_237, %bitcast_convert_type3A_234 : vector<16xf32>
        %mul3A_239 = arith.mulf %mul3A_238, %bitcast_convert_type3A_234 : vector<16xf32>
        %sub3A_240 = arith.constant 1.500000e+00 : f32
        %sub3A_241 = vector.broadcast %sub3A_240 : f32 to vector<16xf32>
        %sub3A_242 = arith.subf %sub3A_241, %mul3A_239 : vector<16xf32>
        %mul3A_243 = arith.mulf %bitcast_convert_type3A_234, %sub3A_242 : vector<16xf32>
        %mul3A_244 = arith.mulf %mul3A_237, %mul3A_243 : vector<16xf32>
        %mul3A_245 = arith.mulf %mul3A_244, %mul3A_243 : vector<16xf32>
        %sub3A_246 = arith.constant 1.500000e+00 : f32
        %sub3A_247 = vector.broadcast %sub3A_246 : f32 to vector<16xf32>
        %sub3A_248 = arith.subf %sub3A_247, %mul3A_245 : vector<16xf32>
        %mul3A_249 = arith.mulf %mul3A_243, %sub3A_248 : vector<16xf32>
        %mul3A_250 = arith.mulf %mul3A_237, %mul3A_249 : vector<16xf32>
        %mul3A_251 = arith.mulf %mul3A_250, %mul3A_249 : vector<16xf32>
        %sub3A_252 = arith.constant 1.500000e+00 : f32
        %sub3A_253 = vector.broadcast %sub3A_252 : f32 to vector<16xf32>
        %sub3A_254 = arith.subf %sub3A_253, %mul3A_251 : vector<16xf32>
        %mul3A_255 = arith.mulf %mul3A_249, %sub3A_254 : vector<16xf32>
        %mul3A_256 = arith.mulf %max3A_228, %mul3A_255 : vector<16xf32>
        %mul3A_257 = arith.constant -2.000000e+00 : f32
        %mul3A_258 = vector.broadcast %mul3A_257 : f32 to vector<16xf32>
        %mul3A_259 = arith.mulf %mul3A_258, %mul3A_256 : vector<16xf32>
        %sub3A_260 = arith.constant 0.693147182 : f32
        %sub3A_261 = vector.broadcast %sub3A_260 : f32 to vector<16xf32>
        %sub3A_262 = arith.subf %mul3A_259, %sub3A_261 : vector<16xf32>
        %exp3A = math.exp %sub3A_262 : vector<16xf32>
        %swap3A = arith.index_cast %mul3A_190 : i32 to index
        %swap3A_263 = tpu.vector_load %arg27[%swap3A] {strides = array<i32>} : memref<4096xf32, #tpu.memory_space<vmem>>, vector<16xf32>,
        %swap3A_264 = vector.shape_cast %swap3A_263 : vector<16xf32> to vector<16xf32>
        %swap3A_265 = vector.shape_cast %exp3A : vector<16xf32> to vector<16xf32>
        tpu.vector_store %arg27[%swap3A], %swap3A_265 {strides = array<i32>} : memref<4096xf32, #tpu.memory_space<vmem>>, vector<16xf32>,
      }
      %scan3A_139 = arith.constant 256 : i32
      %dma_start3A_140 = arith.constant 0 : i32
      %dma_start3A_141 = tpu.memref_slice %arg15[%dma_start3A_140] : memref<100352xf32, #tpu.memory_space<vmem_shared>> -> memref<100352xf32, #tpu.memory_space<vmem_shared>>
      tpu.enqueue_indirect_dma source(%arg27 : memref<4096xf32, #tpu.memory_space<vmem>>) target(%dma_start3A_141 : memref<100352xf32, #tpu.memory_space<vmem_shared>>) offsets(%arg17 : memref<4096xi32, #tpu.memory_space<vmem>>) semaphore(%arg42 : memref<!tpu.dma_semaphore, #tpu.memory_space<semaphore_mem>>) {add = true}
      %dma_wait3A_142 = tpu.memref_slice %arg2[%mul3A_111] : memref<6422528xi32, #tpu.memory_space<hbm>> -> memref<4096xi32, #tpu.memory_space<hbm>>
      %dma_wait3A_143 = tpu.memref_slice %arg2[%mul3A_111] : memref<6422528xi32, #tpu.memory_space<hbm>> -> memref<4096xi32, #tpu.memory_space<hbm>>
      tpu.wait_dma2 semaphore(%arg40 : memref<!tpu.dma_semaphore, #tpu.memory_space<semaphore_mem>>) src(%dma_wait3A_143 : memref<4096xi32, #tpu.memory_space<hbm>>) dst(%arg28 : memref<4096xi32, #tpu.memory_space<vmem>>)
      %dma_wait3A_144 = tpu.memref_slice %arg3[%mul3A_111] : memref<6422528xi32, #tpu.memory_space<hbm>> -> memref<4096xi32, #tpu.memory_space<hbm>>
      %dma_wait3A_145 = tpu.memref_slice %arg3[%mul3A_111] : memref<6422528xi32, #tpu.memory_space<hbm>> -> memref<4096xi32, #tpu.memory_space<hbm>>
      tpu.wait_dma2 semaphore(%arg40 : memref<!tpu.dma_semaphore, #tpu.memory_space<semaphore_mem>>) src(%dma_wait3A_145 : memref<4096xi32, #tpu.memory_space<hbm>>) dst(%arg29 : memref<4096xi32, #tpu.memory_space<vmem>>)
      %dma_wait3A_146 = tpu.memref_slice %arg4[%mul3A_111] : memref<6422528xf32, #tpu.memory_space<hbm>> -> memref<4096xf32, #tpu.memory_space<hbm>>
      %dma_wait3A_147 = tpu.memref_slice %arg4[%mul3A_111] : memref<6422528xf32, #tpu.memory_space<hbm>> -> memref<4096xf32, #tpu.memory_space<hbm>>
      tpu.wait_dma2 semaphore(%arg40 : memref<!tpu.dma_semaphore, #tpu.memory_space<semaphore_mem>>) src(%dma_wait3A_147 : memref<4096xf32, #tpu.memory_space<hbm>>) dst(%arg30 : memref<4096xf32, #tpu.memory_space<vmem>>)
      %dma_wait3A_148 = tpu.memref_slice %arg5[%mul3A_111] : memref<6422528xf32, #tpu.memory_space<hbm>> -> memref<4096xf32, #tpu.memory_space<hbm>>
      %dma_wait3A_149 = tpu.memref_slice %arg5[%mul3A_111] : memref<6422528xf32, #tpu.memory_space<hbm>> -> memref<4096xf32, #tpu.memory_space<hbm>>
      tpu.wait_dma2 semaphore(%arg40 : memref<!tpu.dma_semaphore, #tpu.memory_space<semaphore_mem>>) src(%dma_wait3A_149 : memref<4096xf32, #tpu.memory_space<hbm>>) dst(%arg31 : memref<4096xf32, #tpu.memory_space<vmem>>)
      %dma_wait3A_150 = tpu.memref_slice %arg6[%mul3A_111] : memref<6422528xf32, #tpu.memory_space<hbm>> -> memref<4096xf32, #tpu.memory_space<hbm>>
      %dma_wait3A_151 = tpu.memref_slice %arg6[%mul3A_111] : memref<6422528xf32, #tpu.memory_space<hbm>> -> memref<4096xf32, #tpu.memory_space<hbm>>
      tpu.wait_dma2 semaphore(%arg40 : memref<!tpu.dma_semaphore, #tpu.memory_space<semaphore_mem>>) src(%dma_wait3A_151 : memref<4096xf32, #tpu.memory_space<hbm>>) dst(%arg32 : memref<4096xf32, #tpu.memory_space<vmem>>)
      %dma_start3A_152 = arith.constant 0 : i32
      %dma_start3A_153 = tpu.memref_slice %arg12[%dma_start3A_152] : memref<100352xf32, #tpu.memory_space<vmem_shared>> -> memref<100352xf32, #tpu.memory_space<vmem_shared>>
      tpu.enqueue_indirect_dma source(%dma_start3A_153 : memref<100352xf32, #tpu.memory_space<vmem_shared>>) target(%arg33 : memref<4096xf32, #tpu.memory_space<vmem>>) offsets(%arg28 : memref<4096xi32, #tpu.memory_space<vmem>>) semaphore(%arg41 : memref<!tpu.dma_semaphore, #tpu.memory_space<semaphore_mem>>)
      %dma_start3A_154 = arith.constant 0 : i32
      %dma_start3A_155 = tpu.memref_slice %arg13[%dma_start3A_154] : memref<100352xf32, #tpu.memory_space<vmem_shared>> -> memref<100352xf32, #tpu.memory_space<vmem_shared>>
      tpu.enqueue_indirect_dma source(%dma_start3A_155 : memref<100352xf32, #tpu.memory_space<vmem_shared>>) target(%arg34 : memref<4096xf32, #tpu.memory_space<vmem>>) offsets(%arg28 : memref<4096xi32, #tpu.memory_space<vmem>>) semaphore(%arg41 : memref<!tpu.dma_semaphore, #tpu.memory_space<semaphore_mem>>)
      %dma_start3A_156 = arith.constant 0 : i32
      %dma_start3A_157 = tpu.memref_slice %arg14[%dma_start3A_156] : memref<100352xf32, #tpu.memory_space<vmem_shared>> -> memref<100352xf32, #tpu.memory_space<vmem_shared>>
      tpu.enqueue_indirect_dma source(%dma_start3A_157 : memref<100352xf32, #tpu.memory_space<vmem_shared>>) target(%arg35 : memref<4096xf32, #tpu.memory_space<vmem>>) offsets(%arg28 : memref<4096xi32, #tpu.memory_space<vmem>>) semaphore(%arg41 : memref<!tpu.dma_semaphore, #tpu.memory_space<semaphore_mem>>)
      %dma_start3A_158 = arith.constant 0 : i32
      %dma_start3A_159 = tpu.memref_slice %arg12[%dma_start3A_158] : memref<100352xf32, #tpu.memory_space<vmem_shared>> -> memref<100352xf32, #tpu.memory_space<vmem_shared>>
      tpu.enqueue_indirect_dma source(%dma_start3A_159 : memref<100352xf32, #tpu.memory_space<vmem_shared>>) target(%arg36 : memref<4096xf32, #tpu.memory_space<vmem>>) offsets(%arg29 : memref<4096xi32, #tpu.memory_space<vmem>>) semaphore(%arg41 : memref<!tpu.dma_semaphore, #tpu.memory_space<semaphore_mem>>)
      %dma_start3A_160 = arith.constant 0 : i32
      %dma_start3A_161 = tpu.memref_slice %arg13[%dma_start3A_160] : memref<100352xf32, #tpu.memory_space<vmem_shared>> -> memref<100352xf32, #tpu.memory_space<vmem_shared>>
      tpu.enqueue_indirect_dma source(%dma_start3A_161 : memref<100352xf32, #tpu.memory_space<vmem_shared>>) target(%arg37 : memref<4096xf32, #tpu.memory_space<vmem>>) offsets(%arg29 : memref<4096xi32, #tpu.memory_space<vmem>>) semaphore(%arg41 : memref<!tpu.dma_semaphore, #tpu.memory_space<semaphore_mem>>)
      %dma_start3A_162 = arith.constant 0 : i32
      %dma_start3A_163 = tpu.memref_slice %arg14[%dma_start3A_162] : memref<100352xf32, #tpu.memory_space<vmem_shared>> -> memref<100352xf32, #tpu.memory_space<vmem_shared>>
      tpu.enqueue_indirect_dma source(%dma_start3A_163 : memref<100352xf32, #tpu.memory_space<vmem_shared>>) target(%arg38 : memref<4096xf32, #tpu.memory_space<vmem>>) offsets(%arg29 : memref<4096xi32, #tpu.memory_space<vmem>>) semaphore(%arg41 : memref<!tpu.dma_semaphore, #tpu.memory_space<semaphore_mem>>)
      %dma_wait3A_164 = arith.constant 0 : i32
      %dma_wait3A_165 = tpu.memref_slice %arg12[%dma_wait3A_164] : memref<100352xf32, #tpu.memory_space<vmem_shared>> -> memref<100352xf32, #tpu.memory_space<vmem_shared>>
      tpu.wait_indirect_dma semaphore(%arg41 : memref<!tpu.dma_semaphore, #tpu.memory_space<semaphore_mem>>) src(%dma_wait3A_165 : memref<100352xf32, #tpu.memory_space<vmem_shared>>) dst(%arg33 : memref<4096xf32, #tpu.memory_space<vmem>>)
      %dma_wait3A_166 = arith.constant 0 : i32
      %dma_wait3A_167 = tpu.memref_slice %arg13[%dma_wait3A_166] : memref<100352xf32, #tpu.memory_space<vmem_shared>> -> memref<100352xf32, #tpu.memory_space<vmem_shared>>
      tpu.wait_indirect_dma semaphore(%arg41 : memref<!tpu.dma_semaphore, #tpu.memory_space<semaphore_mem>>) src(%dma_wait3A_167 : memref<100352xf32, #tpu.memory_space<vmem_shared>>) dst(%arg34 : memref<4096xf32, #tpu.memory_space<vmem>>)
      %dma_wait3A_168 = arith.constant 0 : i32
      %dma_wait3A_169 = tpu.memref_slice %arg14[%dma_wait3A_168] : memref<100352xf32, #tpu.memory_space<vmem_shared>> -> memref<100352xf32, #tpu.memory_space<vmem_shared>>
      tpu.wait_indirect_dma semaphore(%arg41 : memref<!tpu.dma_semaphore, #tpu.memory_space<semaphore_mem>>) src(%dma_wait3A_169 : memref<100352xf32, #tpu.memory_space<vmem_shared>>) dst(%arg35 : memref<4096xf32, #tpu.memory_space<vmem>>)
      %dma_wait3A_170 = arith.constant 0 : i32
      %dma_wait3A_171 = tpu.memref_slice %arg12[%dma_wait3A_170] : memref<100352xf32, #tpu.memory_space<vmem_shared>> -> memref<100352xf32, #tpu.memory_space<vmem_shared>>
      tpu.wait_indirect_dma semaphore(%arg41 : memref<!tpu.dma_semaphore, #tpu.memory_space<semaphore_mem>>) src(%dma_wait3A_171 : memref<100352xf32, #tpu.memory_space<vmem_shared>>) dst(%arg36 : memref<4096xf32, #tpu.memory_space<vmem>>)
      %dma_wait3A_172 = arith.constant 0 : i32
      %dma_wait3A_173 = tpu.memref_slice %arg13[%dma_wait3A_172] : memref<100352xf32, #tpu.memory_space<vmem_shared>> -> memref<100352xf32, #tpu.memory_space<vmem_shared>>
      tpu.wait_indirect_dma semaphore(%arg41 : memref<!tpu.dma_semaphore, #tpu.memory_space<semaphore_mem>>) src(%dma_wait3A_173 : memref<100352xf32, #tpu.memory_space<vmem_shared>>) dst(%arg37 : memref<4096xf32, #tpu.memory_space<vmem>>)
      %dma_wait3A_174 = arith.constant 0 : i32
      %dma_wait3A_175 = tpu.memref_slice %arg14[%dma_wait3A_174] : memref<100352xf32, #tpu.memory_space<vmem_shared>> -> memref<100352xf32, #tpu.memory_space<vmem_shared>>
      tpu.wait_indirect_dma semaphore(%arg41 : memref<!tpu.dma_semaphore, #tpu.memory_space<semaphore_mem>>) src(%dma_wait3A_175 : memref<100352xf32, #tpu.memory_space<vmem_shared>>) dst(%arg38 : memref<4096xf32, #tpu.memory_space<vmem>>)
      %scan3A_176 = arith.constant 0 : i32
      %scan3A_177 = arith.constant 0 : i32
      %scan3A_178 = arith.constant 256 : i32
      %scan3A_179 = arith.addi %scan3A_177, %scan3A_178 : i32
      %scan3A_180 = arith.constant 1 : i32
      scf.for %scan3A_188 = %scan3A_177 to %scan3A_179 step %scan3A_180  : i32 {
        %mul3A_189 = arith.constant 16 : i32
        %mul3A_190 = arith.muli %scan3A_188, %mul3A_189 : i32
        %get3A = arith.index_cast %mul3A_190 : i32 to index
        %get3A_191 = tpu.vector_load %arg36[%get3A] {strides = array<i32>} : memref<4096xf32, #tpu.memory_space<vmem>>, vector<16xf32>,
        %get3A_192 = vector.shape_cast %get3A_191 : vector<16xf32> to vector<16xf32>
        %get3A_193 = arith.index_cast %mul3A_190 : i32 to index
        %get3A_194 = tpu.vector_load %arg33[%get3A_193] {strides = array<i32>} : memref<4096xf32, #tpu.memory_space<vmem>>, vector<16xf32>,
        %get3A_195 = vector.shape_cast %get3A_194 : vector<16xf32> to vector<16xf32>
        %sub3A = arith.subf %get3A_192, %get3A_195 : vector<16xf32>
        %get3A_196 = arith.index_cast %mul3A_190 : i32 to index
        %get3A_197 = tpu.vector_load %arg30[%get3A_196] {strides = array<i32>} : memref<4096xf32, #tpu.memory_space<vmem>>, vector<16xf32>,
        %get3A_198 = vector.shape_cast %get3A_197 : vector<16xf32> to vector<16xf32>
        %add3A_199 = arith.addf %sub3A, %get3A_198 : vector<16xf32>
        %get3A_200 = arith.index_cast %mul3A_190 : i32 to index
        %get3A_201 = tpu.vector_load %arg37[%get3A_200] {strides = array<i32>} : memref<4096xf32, #tpu.memory_space<vmem>>, vector<16xf32>,
        %get3A_202 = vector.shape_cast %get3A_201 : vector<16xf32> to vector<16xf32>
        %get3A_203 = arith.index_cast %mul3A_190 : i32 to index
        %get3A_204 = tpu.vector_load %arg34[%get3A_203] {strides = array<i32>} : memref<4096xf32, #tpu.memory_space<vmem>>, vector<16xf32>,
        %get3A_205 = vector.shape_cast %get3A_204 : vector<16xf32> to vector<16xf32>
        %sub3A_206 = arith.subf %get3A_202, %get3A_205 : vector<16xf32>
        %get3A_207 = arith.index_cast %mul3A_190 : i32 to index
        %get3A_208 = tpu.vector_load %arg31[%get3A_207] {strides = array<i32>} : memref<4096xf32, #tpu.memory_space<vmem>>, vector<16xf32>,
        %get3A_209 = vector.shape_cast %get3A_208 : vector<16xf32> to vector<16xf32>
        %add3A_210 = arith.addf %sub3A_206, %get3A_209 : vector<16xf32>
        %get3A_211 = arith.index_cast %mul3A_190 : i32 to index
        %get3A_212 = tpu.vector_load %arg38[%get3A_211] {strides = array<i32>} : memref<4096xf32, #tpu.memory_space<vmem>>, vector<16xf32>,
        %get3A_213 = vector.shape_cast %get3A_212 : vector<16xf32> to vector<16xf32>
        %get3A_214 = arith.index_cast %mul3A_190 : i32 to index
        %get3A_215 = tpu.vector_load %arg35[%get3A_214] {strides = array<i32>} : memref<4096xf32, #tpu.memory_space<vmem>>, vector<16xf32>,
        %get3A_216 = vector.shape_cast %get3A_215 : vector<16xf32> to vector<16xf32>
        %sub3A_217 = arith.subf %get3A_213, %get3A_216 : vector<16xf32>
        %get3A_218 = arith.index_cast %mul3A_190 : i32 to index
        %get3A_219 = tpu.vector_load %arg32[%get3A_218] {strides = array<i32>} : memref<4096xf32, #tpu.memory_space<vmem>>, vector<16xf32>,
        %get3A_220 = vector.shape_cast %get3A_219 : vector<16xf32> to vector<16xf32>
        %add3A_221 = arith.addf %sub3A_217, %get3A_220 : vector<16xf32>
        %mul3A_222 = arith.mulf %add3A_199, %add3A_199 : vector<16xf32>
        %mul3A_223 = arith.mulf %add3A_210, %add3A_210 : vector<16xf32>
        %add3A_224 = arith.addf %mul3A_222, %mul3A_223 : vector<16xf32>
        %mul3A_225 = arith.mulf %add3A_221, %add3A_221 : vector<16xf32>
        %add3A_226 = arith.addf %add3A_224, %mul3A_225 : vector<16xf32>
        %max3A = arith.constant 1.000000e-35 : f32
        %max3A_227 = vector.broadcast %max3A : f32 to vector<16xf32>
        %max3A_228 = arith.maximumf %add3A_226, %max3A_227 : vector<16xf32>
        %bitcast_convert_type3A = tpu.bitcast %max3A_228 : vector<16xf32> -> vector<16xi32>
        %shift_right_arithmetic3A = arith.constant 1 : i32
        %shift_right_arithmetic3A_229 = vector.broadcast %shift_right_arithmetic3A : i32 to vector<16xi32>
        %shift_right_arithmetic3A_230 = arith.shrsi %bitcast_convert_type3A, %shift_right_arithmetic3A_229 : vector<16xi32>
        %sub3A_231 = arith.constant 1597463007 : i32
        %sub3A_232 = vector.broadcast %sub3A_231 : i32 to vector<16xi32>
        %sub3A_233 = arith.subi %sub3A_232, %shift_right_arithmetic3A_230 : vector<16xi32>
        %bitcast_convert_type3A_234 = tpu.bitcast %sub3A_233 : vector<16xi32> -> vector<16xf32>
        %mul3A_235 = arith.constant 5.000000e-01 : f32
        %mul3A_236 = vector.broadcast %mul3A_235 : f32 to vector<16xf32>
        %mul3A_237 = arith.mulf %mul3A_236, %max3A_228 : vector<16xf32>
        %mul3A_238 = arith.mulf %mul3A_237, %bitcast_convert_type3A_234 : vector<16xf32>
        %mul3A_239 = arith.mulf %mul3A_238, %bitcast_convert_type3A_234 : vector<16xf32>
        %sub3A_240 = arith.constant 1.500000e+00 : f32
        %sub3A_241 = vector.broadcast %sub3A_240 : f32 to vector<16xf32>
        %sub3A_242 = arith.subf %sub3A_241, %mul3A_239 : vector<16xf32>
        %mul3A_243 = arith.mulf %bitcast_convert_type3A_234, %sub3A_242 : vector<16xf32>
        %mul3A_244 = arith.mulf %mul3A_237, %mul3A_243 : vector<16xf32>
        %mul3A_245 = arith.mulf %mul3A_244, %mul3A_243 : vector<16xf32>
        %sub3A_246 = arith.constant 1.500000e+00 : f32
        %sub3A_247 = vector.broadcast %sub3A_246 : f32 to vector<16xf32>
        %sub3A_248 = arith.subf %sub3A_247, %mul3A_245 : vector<16xf32>
        %mul3A_249 = arith.mulf %mul3A_243, %sub3A_248 : vector<16xf32>
        %mul3A_250 = arith.mulf %mul3A_237, %mul3A_249 : vector<16xf32>
        %mul3A_251 = arith.mulf %mul3A_250, %mul3A_249 : vector<16xf32>
        %sub3A_252 = arith.constant 1.500000e+00 : f32
        %sub3A_253 = vector.broadcast %sub3A_252 : f32 to vector<16xf32>
        %sub3A_254 = arith.subf %sub3A_253, %mul3A_251 : vector<16xf32>
        %mul3A_255 = arith.mulf %mul3A_249, %sub3A_254 : vector<16xf32>
        %mul3A_256 = arith.mulf %max3A_228, %mul3A_255 : vector<16xf32>
        %mul3A_257 = arith.constant -2.000000e+00 : f32
        %mul3A_258 = vector.broadcast %mul3A_257 : f32 to vector<16xf32>
        %mul3A_259 = arith.mulf %mul3A_258, %mul3A_256 : vector<16xf32>
        %sub3A_260 = arith.constant 0.693147182 : f32
        %sub3A_261 = vector.broadcast %sub3A_260 : f32 to vector<16xf32>
        %sub3A_262 = arith.subf %mul3A_259, %sub3A_261 : vector<16xf32>
        %exp3A = math.exp %sub3A_262 : vector<16xf32>
        %swap3A = arith.index_cast %mul3A_190 : i32 to index
        %swap3A_263 = tpu.vector_load %arg39[%swap3A] {strides = array<i32>} : memref<4096xf32, #tpu.memory_space<vmem>>, vector<16xf32>,
        %swap3A_264 = vector.shape_cast %swap3A_263 : vector<16xf32> to vector<16xf32>
        %swap3A_265 = vector.shape_cast %exp3A : vector<16xf32> to vector<16xf32>
        tpu.vector_store %arg39[%swap3A], %swap3A_265 {strides = array<i32>} : memref<4096xf32, #tpu.memory_space<vmem>>, vector<16xf32>,
      }
      %scan3A_181 = arith.constant 256 : i32
      %dma_start3A_182 = arith.constant 0 : i32
      %dma_start3A_183 = tpu.memref_slice %arg15[%dma_start3A_182] : memref<100352xf32, #tpu.memory_space<vmem_shared>> -> memref<100352xf32, #tpu.memory_space<vmem_shared>>
      tpu.enqueue_indirect_dma source(%arg39 : memref<4096xf32, #tpu.memory_space<vmem>>) target(%dma_start3A_183 : memref<100352xf32, #tpu.memory_space<vmem_shared>>) offsets(%arg29 : memref<4096xi32, #tpu.memory_space<vmem>>) semaphore(%arg42 : memref<!tpu.dma_semaphore, #tpu.memory_space<semaphore_mem>>) {add = true}
      %dma_wait3A_184 = arith.constant 0 : i32
      %dma_wait3A_185 = tpu.memref_slice %arg15[%dma_wait3A_184] : memref<100352xf32, #tpu.memory_space<vmem_shared>> -> memref<100352xf32, #tpu.memory_space<vmem_shared>>
      tpu.wait_indirect_dma semaphore(%arg42 : memref<!tpu.dma_semaphore, #tpu.memory_space<semaphore_mem>>) src(%arg27 : memref<4096xf32, #tpu.memory_space<vmem>>) dst(%dma_wait3A_185 : memref<100352xf32, #tpu.memory_space<vmem_shared>>)
      %dma_wait3A_186 = arith.constant 0 : i32
      %dma_wait3A_187 = tpu.memref_slice %arg15[%dma_wait3A_186] : memref<100352xf32, #tpu.memory_space<vmem_shared>> -> memref<100352xf32, #tpu.memory_space<vmem_shared>>
      tpu.wait_indirect_dma semaphore(%arg42 : memref<!tpu.dma_semaphore, #tpu.memory_space<semaphore_mem>>) src(%arg39 : memref<4096xf32, #tpu.memory_space<vmem>>) dst(%dma_wait3A_187 : memref<100352xf32, #tpu.memory_space<vmem_shared>>)
    }
    %scan3A_9 = arith.constant 24 : i32
    %add3A_10 = arith.constant 48 : i32
    %add3A_11 = arith.addi %mul3A_4, %add3A_10 : i32
    %mul3A_12 = arith.constant 4096 : i32
    %mul3A_13 = arith.muli %add3A_11, %mul3A_12 : i32
    %dma_start3A = tpu.memref_slice %arg2[%mul3A_13] : memref<6422528xi32, #tpu.memory_space<hbm>> -> memref<4096xi32, #tpu.memory_space<hbm>>
    %dma_start3A_14 = tpu.memref_slice %arg2[%mul3A_13] : memref<6422528xi32, #tpu.memory_space<hbm>> -> memref<4096xi32, #tpu.memory_space<hbm>>
    tpu.enqueue_dma source(%dma_start3A_14 : memref<4096xi32, #tpu.memory_space<hbm>>) target(%arg16 : memref<4096xi32, #tpu.memory_space<vmem>>) target_semaphore(%arg40 : memref<!tpu.dma_semaphore, #tpu.memory_space<semaphore_mem>>)
    %dma_start3A_15 = tpu.memref_slice %arg3[%mul3A_13] : memref<6422528xi32, #tpu.memory_space<hbm>> -> memref<4096xi32, #tpu.memory_space<hbm>>
    %dma_start3A_16 = tpu.memref_slice %arg3[%mul3A_13] : memref<6422528xi32, #tpu.memory_space<hbm>> -> memref<4096xi32, #tpu.memory_space<hbm>>
    tpu.enqueue_dma source(%dma_start3A_16 : memref<4096xi32, #tpu.memory_space<hbm>>) target(%arg17 : memref<4096xi32, #tpu.memory_space<vmem>>) target_semaphore(%arg40 : memref<!tpu.dma_semaphore, #tpu.memory_space<semaphore_mem>>)
    %dma_start3A_17 = tpu.memref_slice %arg4[%mul3A_13] : memref<6422528xf32, #tpu.memory_space<hbm>> -> memref<4096xf32, #tpu.memory_space<hbm>>
    %dma_start3A_18 = tpu.memref_slice %arg4[%mul3A_13] : memref<6422528xf32, #tpu.memory_space<hbm>> -> memref<4096xf32, #tpu.memory_space<hbm>>
    tpu.enqueue_dma source(%dma_start3A_18 : memref<4096xf32, #tpu.memory_space<hbm>>) target(%arg18 : memref<4096xf32, #tpu.memory_space<vmem>>) target_semaphore(%arg40 : memref<!tpu.dma_semaphore, #tpu.memory_space<semaphore_mem>>)
    %dma_start3A_19 = tpu.memref_slice %arg5[%mul3A_13] : memref<6422528xf32, #tpu.memory_space<hbm>> -> memref<4096xf32, #tpu.memory_space<hbm>>
    %dma_start3A_20 = tpu.memref_slice %arg5[%mul3A_13] : memref<6422528xf32, #tpu.memory_space<hbm>> -> memref<4096xf32, #tpu.memory_space<hbm>>
    tpu.enqueue_dma source(%dma_start3A_20 : memref<4096xf32, #tpu.memory_space<hbm>>) target(%arg19 : memref<4096xf32, #tpu.memory_space<vmem>>) target_semaphore(%arg40 : memref<!tpu.dma_semaphore, #tpu.memory_space<semaphore_mem>>)
    %dma_start3A_21 = tpu.memref_slice %arg6[%mul3A_13] : memref<6422528xf32, #tpu.memory_space<hbm>> -> memref<4096xf32, #tpu.memory_space<hbm>>
    %dma_start3A_22 = tpu.memref_slice %arg6[%mul3A_13] : memref<6422528xf32, #tpu.memory_space<hbm>> -> memref<4096xf32, #tpu.memory_space<hbm>>
    tpu.enqueue_dma source(%dma_start3A_22 : memref<4096xf32, #tpu.memory_space<hbm>>) target(%arg20 : memref<4096xf32, #tpu.memory_space<vmem>>) target_semaphore(%arg40 : memref<!tpu.dma_semaphore, #tpu.memory_space<semaphore_mem>>)
    %dma_wait3A = tpu.memref_slice %arg2[%mul3A_13] : memref<6422528xi32, #tpu.memory_space<hbm>> -> memref<4096xi32, #tpu.memory_space<hbm>>
    %dma_wait3A_23 = tpu.memref_slice %arg2[%mul3A_13] : memref<6422528xi32, #tpu.memory_space<hbm>> -> memref<4096xi32, #tpu.memory_space<hbm>>
    tpu.wait_dma2 semaphore(%arg40 : memref<!tpu.dma_semaphore, #tpu.memory_space<semaphore_mem>>) src(%dma_wait3A_23 : memref<4096xi32, #tpu.memory_space<hbm>>) dst(%arg16 : memref<4096xi32, #tpu.memory_space<vmem>>)
    %dma_wait3A_24 = tpu.memref_slice %arg3[%mul3A_13] : memref<6422528xi32, #tpu.memory_space<hbm>> -> memref<4096xi32, #tpu.memory_space<hbm>>
    %dma_wait3A_25 = tpu.memref_slice %arg3[%mul3A_13] : memref<6422528xi32, #tpu.memory_space<hbm>> -> memref<4096xi32, #tpu.memory_space<hbm>>
    tpu.wait_dma2 semaphore(%arg40 : memref<!tpu.dma_semaphore, #tpu.memory_space<semaphore_mem>>) src(%dma_wait3A_25 : memref<4096xi32, #tpu.memory_space<hbm>>) dst(%arg17 : memref<4096xi32, #tpu.memory_space<vmem>>)
    %dma_wait3A_26 = tpu.memref_slice %arg4[%mul3A_13] : memref<6422528xf32, #tpu.memory_space<hbm>> -> memref<4096xf32, #tpu.memory_space<hbm>>
    %dma_wait3A_27 = tpu.memref_slice %arg4[%mul3A_13] : memref<6422528xf32, #tpu.memory_space<hbm>> -> memref<4096xf32, #tpu.memory_space<hbm>>
    tpu.wait_dma2 semaphore(%arg40 : memref<!tpu.dma_semaphore, #tpu.memory_space<semaphore_mem>>) src(%dma_wait3A_27 : memref<4096xf32, #tpu.memory_space<hbm>>) dst(%arg18 : memref<4096xf32, #tpu.memory_space<vmem>>)
    %dma_wait3A_28 = tpu.memref_slice %arg5[%mul3A_13] : memref<6422528xf32, #tpu.memory_space<hbm>> -> memref<4096xf32, #tpu.memory_space<hbm>>
    %dma_wait3A_29 = tpu.memref_slice %arg5[%mul3A_13] : memref<6422528xf32, #tpu.memory_space<hbm>> -> memref<4096xf32, #tpu.memory_space<hbm>>
    tpu.wait_dma2 semaphore(%arg40 : memref<!tpu.dma_semaphore, #tpu.memory_space<semaphore_mem>>) src(%dma_wait3A_29 : memref<4096xf32, #tpu.memory_space<hbm>>) dst(%arg19 : memref<4096xf32, #tpu.memory_space<vmem>>)
    %dma_wait3A_30 = tpu.memref_slice %arg6[%mul3A_13] : memref<6422528xf32, #tpu.memory_space<hbm>> -> memref<4096xf32, #tpu.memory_space<hbm>>
    %dma_wait3A_31 = tpu.memref_slice %arg6[%mul3A_13] : memref<6422528xf32, #tpu.memory_space<hbm>> -> memref<4096xf32, #tpu.memory_space<hbm>>
    tpu.wait_dma2 semaphore(%arg40 : memref<!tpu.dma_semaphore, #tpu.memory_space<semaphore_mem>>) src(%dma_wait3A_31 : memref<4096xf32, #tpu.memory_space<hbm>>) dst(%arg20 : memref<4096xf32, #tpu.memory_space<vmem>>)
    %dma_start3A_32 = arith.constant 0 : i32
    %dma_start3A_33 = tpu.memref_slice %arg12[%dma_start3A_32] : memref<100352xf32, #tpu.memory_space<vmem_shared>> -> memref<100352xf32, #tpu.memory_space<vmem_shared>>
    tpu.enqueue_indirect_dma source(%dma_start3A_33 : memref<100352xf32, #tpu.memory_space<vmem_shared>>) target(%arg21 : memref<4096xf32, #tpu.memory_space<vmem>>) offsets(%arg16 : memref<4096xi32, #tpu.memory_space<vmem>>) semaphore(%arg41 : memref<!tpu.dma_semaphore, #tpu.memory_space<semaphore_mem>>)
    %dma_start3A_34 = arith.constant 0 : i32
    %dma_start3A_35 = tpu.memref_slice %arg13[%dma_start3A_34] : memref<100352xf32, #tpu.memory_space<vmem_shared>> -> memref<100352xf32, #tpu.memory_space<vmem_shared>>
    tpu.enqueue_indirect_dma source(%dma_start3A_35 : memref<100352xf32, #tpu.memory_space<vmem_shared>>) target(%arg22 : memref<4096xf32, #tpu.memory_space<vmem>>) offsets(%arg16 : memref<4096xi32, #tpu.memory_space<vmem>>) semaphore(%arg41 : memref<!tpu.dma_semaphore, #tpu.memory_space<semaphore_mem>>)
    %dma_start3A_36 = arith.constant 0 : i32
    %dma_start3A_37 = tpu.memref_slice %arg14[%dma_start3A_36] : memref<100352xf32, #tpu.memory_space<vmem_shared>> -> memref<100352xf32, #tpu.memory_space<vmem_shared>>
    tpu.enqueue_indirect_dma source(%dma_start3A_37 : memref<100352xf32, #tpu.memory_space<vmem_shared>>) target(%arg23 : memref<4096xf32, #tpu.memory_space<vmem>>) offsets(%arg16 : memref<4096xi32, #tpu.memory_space<vmem>>) semaphore(%arg41 : memref<!tpu.dma_semaphore, #tpu.memory_space<semaphore_mem>>)
    %dma_start3A_38 = arith.constant 0 : i32
    %dma_start3A_39 = tpu.memref_slice %arg12[%dma_start3A_38] : memref<100352xf32, #tpu.memory_space<vmem_shared>> -> memref<100352xf32, #tpu.memory_space<vmem_shared>>
    tpu.enqueue_indirect_dma source(%dma_start3A_39 : memref<100352xf32, #tpu.memory_space<vmem_shared>>) target(%arg24 : memref<4096xf32, #tpu.memory_space<vmem>>) offsets(%arg17 : memref<4096xi32, #tpu.memory_space<vmem>>) semaphore(%arg41 : memref<!tpu.dma_semaphore, #tpu.memory_space<semaphore_mem>>)
    %dma_start3A_40 = arith.constant 0 : i32
    %dma_start3A_41 = tpu.memref_slice %arg13[%dma_start3A_40] : memref<100352xf32, #tpu.memory_space<vmem_shared>> -> memref<100352xf32, #tpu.memory_space<vmem_shared>>
    tpu.enqueue_indirect_dma source(%dma_start3A_41 : memref<100352xf32, #tpu.memory_space<vmem_shared>>) target(%arg25 : memref<4096xf32, #tpu.memory_space<vmem>>) offsets(%arg17 : memref<4096xi32, #tpu.memory_space<vmem>>) semaphore(%arg41 : memref<!tpu.dma_semaphore, #tpu.memory_space<semaphore_mem>>)
    %dma_start3A_42 = arith.constant 0 : i32
    %dma_start3A_43 = tpu.memref_slice %arg14[%dma_start3A_42] : memref<100352xf32, #tpu.memory_space<vmem_shared>> -> memref<100352xf32, #tpu.memory_space<vmem_shared>>
    tpu.enqueue_indirect_dma source(%dma_start3A_43 : memref<100352xf32, #tpu.memory_space<vmem_shared>>) target(%arg26 : memref<4096xf32, #tpu.memory_space<vmem>>) offsets(%arg17 : memref<4096xi32, #tpu.memory_space<vmem>>) semaphore(%arg41 : memref<!tpu.dma_semaphore, #tpu.memory_space<semaphore_mem>>)
    %dma_wait3A_44 = arith.constant 0 : i32
    %dma_wait3A_45 = tpu.memref_slice %arg12[%dma_wait3A_44] : memref<100352xf32, #tpu.memory_space<vmem_shared>> -> memref<100352xf32, #tpu.memory_space<vmem_shared>>
    tpu.wait_indirect_dma semaphore(%arg41 : memref<!tpu.dma_semaphore, #tpu.memory_space<semaphore_mem>>) src(%dma_wait3A_45 : memref<100352xf32, #tpu.memory_space<vmem_shared>>) dst(%arg21 : memref<4096xf32, #tpu.memory_space<vmem>>)
    %dma_wait3A_46 = arith.constant 0 : i32
    %dma_wait3A_47 = tpu.memref_slice %arg13[%dma_wait3A_46] : memref<100352xf32, #tpu.memory_space<vmem_shared>> -> memref<100352xf32, #tpu.memory_space<vmem_shared>>
    tpu.wait_indirect_dma semaphore(%arg41 : memref<!tpu.dma_semaphore, #tpu.memory_space<semaphore_mem>>) src(%dma_wait3A_47 : memref<100352xf32, #tpu.memory_space<vmem_shared>>) dst(%arg22 : memref<4096xf32, #tpu.memory_space<vmem>>)
    %dma_wait3A_48 = arith.constant 0 : i32
    %dma_wait3A_49 = tpu.memref_slice %arg14[%dma_wait3A_48] : memref<100352xf32, #tpu.memory_space<vmem_shared>> -> memref<100352xf32, #tpu.memory_space<vmem_shared>>
    tpu.wait_indirect_dma semaphore(%arg41 : memref<!tpu.dma_semaphore, #tpu.memory_space<semaphore_mem>>) src(%dma_wait3A_49 : memref<100352xf32, #tpu.memory_space<vmem_shared>>) dst(%arg23 : memref<4096xf32, #tpu.memory_space<vmem>>)
    %dma_wait3A_50 = arith.constant 0 : i32
    %dma_wait3A_51 = tpu.memref_slice %arg12[%dma_wait3A_50] : memref<100352xf32, #tpu.memory_space<vmem_shared>> -> memref<100352xf32, #tpu.memory_space<vmem_shared>>
    tpu.wait_indirect_dma semaphore(%arg41 : memref<!tpu.dma_semaphore, #tpu.memory_space<semaphore_mem>>) src(%dma_wait3A_51 : memref<100352xf32, #tpu.memory_space<vmem_shared>>) dst(%arg24 : memref<4096xf32, #tpu.memory_space<vmem>>)
    %dma_wait3A_52 = arith.constant 0 : i32
    %dma_wait3A_53 = tpu.memref_slice %arg13[%dma_wait3A_52] : memref<100352xf32, #tpu.memory_space<vmem_shared>> -> memref<100352xf32, #tpu.memory_space<vmem_shared>>
    tpu.wait_indirect_dma semaphore(%arg41 : memref<!tpu.dma_semaphore, #tpu.memory_space<semaphore_mem>>) src(%dma_wait3A_53 : memref<100352xf32, #tpu.memory_space<vmem_shared>>) dst(%arg25 : memref<4096xf32, #tpu.memory_space<vmem>>)
    %dma_wait3A_54 = arith.constant 0 : i32
    %dma_wait3A_55 = tpu.memref_slice %arg14[%dma_wait3A_54] : memref<100352xf32, #tpu.memory_space<vmem_shared>> -> memref<100352xf32, #tpu.memory_space<vmem_shared>>
    tpu.wait_indirect_dma semaphore(%arg41 : memref<!tpu.dma_semaphore, #tpu.memory_space<semaphore_mem>>) src(%dma_wait3A_55 : memref<100352xf32, #tpu.memory_space<vmem_shared>>) dst(%arg26 : memref<4096xf32, #tpu.memory_space<vmem>>)
    %scan3A_56 = arith.constant 0 : i32
    %scan3A_57 = arith.constant 0 : i32
    %scan3A_58 = arith.constant 256 : i32
    %scan3A_59 = arith.addi %scan3A_57, %scan3A_58 : i32
    %scan3A_60 = arith.constant 1 : i32
    scf.for %scan3A_67 = %scan3A_57 to %scan3A_59 step %scan3A_60  : i32 {
      %mul3A_68 = arith.constant 16 : i32
      %mul3A_69 = arith.muli %scan3A_67, %mul3A_68 : i32
      %get3A = arith.index_cast %mul3A_69 : i32 to index
      %get3A_70 = tpu.vector_load %arg24[%get3A] {strides = array<i32>} : memref<4096xf32, #tpu.memory_space<vmem>>, vector<16xf32>,
      %get3A_71 = vector.shape_cast %get3A_70 : vector<16xf32> to vector<16xf32>
      %get3A_72 = arith.index_cast %mul3A_69 : i32 to index
      %get3A_73 = tpu.vector_load %arg21[%get3A_72] {strides = array<i32>} : memref<4096xf32, #tpu.memory_space<vmem>>, vector<16xf32>,
      %get3A_74 = vector.shape_cast %get3A_73 : vector<16xf32> to vector<16xf32>
      %sub3A = arith.subf %get3A_71, %get3A_74 : vector<16xf32>
      %get3A_75 = arith.index_cast %mul3A_69 : i32 to index
      %get3A_76 = tpu.vector_load %arg18[%get3A_75] {strides = array<i32>} : memref<4096xf32, #tpu.memory_space<vmem>>, vector<16xf32>,
      %get3A_77 = vector.shape_cast %get3A_76 : vector<16xf32> to vector<16xf32>
      %add3A_78 = arith.addf %sub3A, %get3A_77 : vector<16xf32>
      %get3A_79 = arith.index_cast %mul3A_69 : i32 to index
      %get3A_80 = tpu.vector_load %arg25[%get3A_79] {strides = array<i32>} : memref<4096xf32, #tpu.memory_space<vmem>>, vector<16xf32>,
      %get3A_81 = vector.shape_cast %get3A_80 : vector<16xf32> to vector<16xf32>
      %get3A_82 = arith.index_cast %mul3A_69 : i32 to index
      %get3A_83 = tpu.vector_load %arg22[%get3A_82] {strides = array<i32>} : memref<4096xf32, #tpu.memory_space<vmem>>, vector<16xf32>,
      %get3A_84 = vector.shape_cast %get3A_83 : vector<16xf32> to vector<16xf32>
      %sub3A_85 = arith.subf %get3A_81, %get3A_84 : vector<16xf32>
      %get3A_86 = arith.index_cast %mul3A_69 : i32 to index
      %get3A_87 = tpu.vector_load %arg19[%get3A_86] {strides = array<i32>} : memref<4096xf32, #tpu.memory_space<vmem>>, vector<16xf32>,
      %get3A_88 = vector.shape_cast %get3A_87 : vector<16xf32> to vector<16xf32>
      %add3A_89 = arith.addf %sub3A_85, %get3A_88 : vector<16xf32>
      %get3A_90 = arith.index_cast %mul3A_69 : i32 to index
      %get3A_91 = tpu.vector_load %arg26[%get3A_90] {strides = array<i32>} : memref<4096xf32, #tpu.memory_space<vmem>>, vector<16xf32>,
      %get3A_92 = vector.shape_cast %get3A_91 : vector<16xf32> to vector<16xf32>
      %get3A_93 = arith.index_cast %mul3A_69 : i32 to index
      %get3A_94 = tpu.vector_load %arg23[%get3A_93] {strides = array<i32>} : memref<4096xf32, #tpu.memory_space<vmem>>, vector<16xf32>,
      %get3A_95 = vector.shape_cast %get3A_94 : vector<16xf32> to vector<16xf32>
      %sub3A_96 = arith.subf %get3A_92, %get3A_95 : vector<16xf32>
      %get3A_97 = arith.index_cast %mul3A_69 : i32 to index
      %get3A_98 = tpu.vector_load %arg20[%get3A_97] {strides = array<i32>} : memref<4096xf32, #tpu.memory_space<vmem>>, vector<16xf32>,
      %get3A_99 = vector.shape_cast %get3A_98 : vector<16xf32> to vector<16xf32>
      %add3A_100 = arith.addf %sub3A_96, %get3A_99 : vector<16xf32>
      %mul3A_101 = arith.mulf %add3A_78, %add3A_78 : vector<16xf32>
      %mul3A_102 = arith.mulf %add3A_89, %add3A_89 : vector<16xf32>
      %add3A_103 = arith.addf %mul3A_101, %mul3A_102 : vector<16xf32>
      %mul3A_104 = arith.mulf %add3A_100, %add3A_100 : vector<16xf32>
      %add3A_105 = arith.addf %add3A_103, %mul3A_104 : vector<16xf32>
      %max3A = arith.constant 1.000000e-35 : f32
      %max3A_106 = vector.broadcast %max3A : f32 to vector<16xf32>
      %max3A_107 = arith.maximumf %add3A_105, %max3A_106 : vector<16xf32>
      %bitcast_convert_type3A = tpu.bitcast %max3A_107 : vector<16xf32> -> vector<16xi32>
      %shift_right_arithmetic3A = arith.constant 1 : i32
      %shift_right_arithmetic3A_108 = vector.broadcast %shift_right_arithmetic3A : i32 to vector<16xi32>
      %shift_right_arithmetic3A_109 = arith.shrsi %bitcast_convert_type3A, %shift_right_arithmetic3A_108 : vector<16xi32>
      %sub3A_110 = arith.constant 1597463007 : i32
      %sub3A_111 = vector.broadcast %sub3A_110 : i32 to vector<16xi32>
      %sub3A_112 = arith.subi %sub3A_111, %shift_right_arithmetic3A_109 : vector<16xi32>
      %bitcast_convert_type3A_113 = tpu.bitcast %sub3A_112 : vector<16xi32> -> vector<16xf32>
      %mul3A_114 = arith.constant 5.000000e-01 : f32
      %mul3A_115 = vector.broadcast %mul3A_114 : f32 to vector<16xf32>
      %mul3A_116 = arith.mulf %mul3A_115, %max3A_107 : vector<16xf32>
      %mul3A_117 = arith.mulf %mul3A_116, %bitcast_convert_type3A_113 : vector<16xf32>
      %mul3A_118 = arith.mulf %mul3A_117, %bitcast_convert_type3A_113 : vector<16xf32>
      %sub3A_119 = arith.constant 1.500000e+00 : f32
      %sub3A_120 = vector.broadcast %sub3A_119 : f32 to vector<16xf32>
      %sub3A_121 = arith.subf %sub3A_120, %mul3A_118 : vector<16xf32>
      %mul3A_122 = arith.mulf %bitcast_convert_type3A_113, %sub3A_121 : vector<16xf32>
      %mul3A_123 = arith.mulf %mul3A_116, %mul3A_122 : vector<16xf32>
      %mul3A_124 = arith.mulf %mul3A_123, %mul3A_122 : vector<16xf32>
      %sub3A_125 = arith.constant 1.500000e+00 : f32
      %sub3A_126 = vector.broadcast %sub3A_125 : f32 to vector<16xf32>
      %sub3A_127 = arith.subf %sub3A_126, %mul3A_124 : vector<16xf32>
      %mul3A_128 = arith.mulf %mul3A_122, %sub3A_127 : vector<16xf32>
      %mul3A_129 = arith.mulf %mul3A_116, %mul3A_128 : vector<16xf32>
      %mul3A_130 = arith.mulf %mul3A_129, %mul3A_128 : vector<16xf32>
      %sub3A_131 = arith.constant 1.500000e+00 : f32
      %sub3A_132 = vector.broadcast %sub3A_131 : f32 to vector<16xf32>
      %sub3A_133 = arith.subf %sub3A_132, %mul3A_130 : vector<16xf32>
      %mul3A_134 = arith.mulf %mul3A_128, %sub3A_133 : vector<16xf32>
      %mul3A_135 = arith.mulf %max3A_107, %mul3A_134 : vector<16xf32>
      %mul3A_136 = arith.constant -2.000000e+00 : f32
      %mul3A_137 = vector.broadcast %mul3A_136 : f32 to vector<16xf32>
      %mul3A_138 = arith.mulf %mul3A_137, %mul3A_135 : vector<16xf32>
      %sub3A_139 = arith.constant 0.693147182 : f32
      %sub3A_140 = vector.broadcast %sub3A_139 : f32 to vector<16xf32>
      %sub3A_141 = arith.subf %mul3A_138, %sub3A_140 : vector<16xf32>
      %exp3A = math.exp %sub3A_141 : vector<16xf32>
      %swap3A = arith.index_cast %mul3A_69 : i32 to index
      %swap3A_142 = tpu.vector_load %arg27[%swap3A] {strides = array<i32>} : memref<4096xf32, #tpu.memory_space<vmem>>, vector<16xf32>,
      %swap3A_143 = vector.shape_cast %swap3A_142 : vector<16xf32> to vector<16xf32>
      %swap3A_144 = vector.shape_cast %exp3A : vector<16xf32> to vector<16xf32>
      tpu.vector_store %arg27[%swap3A], %swap3A_144 {strides = array<i32>} : memref<4096xf32, #tpu.memory_space<vmem>>, vector<16xf32>,
    }
    %scan3A_61 = arith.constant 256 : i32
    %dma_start3A_62 = arith.constant 0 : i32
    %dma_start3A_63 = tpu.memref_slice %arg15[%dma_start3A_62] : memref<100352xf32, #tpu.memory_space<vmem_shared>> -> memref<100352xf32, #tpu.memory_space<vmem_shared>>
    tpu.enqueue_indirect_dma source(%arg27 : memref<4096xf32, #tpu.memory_space<vmem>>) target(%dma_start3A_63 : memref<100352xf32, #tpu.memory_space<vmem_shared>>) offsets(%arg17 : memref<4096xi32, #tpu.memory_space<vmem>>) semaphore(%arg42 : memref<!tpu.dma_semaphore, #tpu.memory_space<semaphore_mem>>) {add = true}
    %dma_wait3A_64 = arith.constant 0 : i32
    %dma_wait3A_65 = tpu.memref_slice %arg15[%dma_wait3A_64] : memref<100352xf32, #tpu.memory_space<vmem_shared>> -> memref<100352xf32, #tpu.memory_space<vmem_shared>>
    tpu.wait_indirect_dma semaphore(%arg42 : memref<!tpu.dma_semaphore, #tpu.memory_space<semaphore_mem>>) src(%arg27 : memref<4096xf32, #tpu.memory_space<vmem>>) dst(%dma_wait3A_65 : memref<100352xf32, #tpu.memory_space<vmem_shared>>)
    %barrier3A_66 = arith.constant 0 : index
    tpu.barrier barrier_id(%barrier3A_66)
    "tpu.region"() ({
      %run_scoped3A = tpu.sem_alloc : memref<!tpu.dma_semaphore, #tpu.memory_space<semaphore_mem>>
      %dma_start3A_67 = tpu.memref_slice %arg11[%arg0, %mul3A_0] : memref<2x100352xf32, #tpu.memory_space<hbm>> -> memref<1x6272xf32, #tpu.memory_space<hbm>>
      %dma_start3A_68 = tpu.memref_squeeze %dma_start3A_67 : memref<1x6272xf32, #tpu.memory_space<hbm>> -> memref<6272xf32, #tpu.memory_space<hbm>>
      %dma_start3A_69 = tpu.memref_slice %arg15[%mul3A_0] : memref<100352xf32, #tpu.memory_space<vmem_shared>> -> memref<6272xf32, #tpu.memory_space<vmem_shared>>
      tpu.enqueue_dma source(%dma_start3A_69 : memref<6272xf32, #tpu.memory_space<vmem_shared>>) target(%dma_start3A_68 : memref<6272xf32, #tpu.memory_space<hbm>>) target_semaphore(%run_scoped3A : memref<!tpu.dma_semaphore, #tpu.memory_space<semaphore_mem>>)
      %dma_wait3A_70 = tpu.memref_slice %arg11[%arg0, %mul3A_0] : memref<2x100352xf32, #tpu.memory_space<hbm>> -> memref<1x6272xf32, #tpu.memory_space<hbm>>
      %dma_wait3A_71 = tpu.memref_squeeze %dma_wait3A_70 : memref<1x6272xf32, #tpu.memory_space<hbm>> -> memref<6272xf32, #tpu.memory_space<hbm>>
      %dma_wait3A_72 = tpu.memref_slice %arg15[%mul3A_0] : memref<100352xf32, #tpu.memory_space<vmem_shared>> -> memref<6272xf32, #tpu.memory_space<vmem_shared>>
      tpu.wait_dma2 semaphore(%run_scoped3A : memref<!tpu.dma_semaphore, #tpu.memory_space<semaphore_mem>>) src(%dma_wait3A_72 : memref<6272xf32, #tpu.memory_space<vmem_shared>>) dst(%dma_wait3A_71 : memref<6272xf32, #tpu.memory_space<hbm>>)
      tpu.yield
    }) : () -> ()
    return
  }
}

module attributes {stable_mosaic.version = 14 : i64} {
  func.func @body(%arg0: memref<2x100352xf32, #tpu.memory_space<vmem>>, %arg1: memref<100352xf32, #tpu.memory_space<vmem>>) attributes {dimension_semantics = [], scalar_prefetch = 0 : i64, scratch_operands = 0 : i64, tpu.core_type = #tpu.core_type<tc>} {
    %get3A = arith.constant 0 : index
    %get3A_0 = arith.constant 0 : index
    %get3A_1 = vector.load %arg0[%get3A, %get3A_0] : memref<2x100352xf32, #tpu.memory_space<vmem>>, vector<1x100352xf32>
    %get3A_2 = vector.shape_cast %get3A_1 : vector<1x100352xf32> to vector<100352xf32>
    %get3A_3 = arith.constant 1 : index
    %get3A_4 = arith.constant 0 : index
    %get3A_5 = vector.load %arg0[%get3A_3, %get3A_4] : memref<2x100352xf32, #tpu.memory_space<vmem>>, vector<1x100352xf32>
    %get3A_6 = vector.shape_cast %get3A_5 : vector<1x100352xf32> to vector<100352xf32>
    %add3A = arith.addf %get3A_2, %get3A_6 : vector<100352xf32>
    %swap3A = arith.constant 0 : index
    %swap3A_7 = vector.load %arg1[%swap3A] : memref<100352xf32, #tpu.memory_space<vmem>>, vector<100352xf32>
    tpu.vector_store %arg1[%swap3A], %add3A {strides = array<i32>} : memref<100352xf32, #tpu.memory_space<vmem>>, vector<100352xf32>,
    return
  }
}

</mosaic_0001>

<sc_bundles>
// kernel: kernel.4.cloned.1.call-start
scs
__scs_entry_jumppad:
0x0: {  	(pc) =	sbr.rel $0x88, $3  }
0x1: {  	(tag) =	ssettag $0x0;
	lr =	simm.s32 $0x1  }
0x2: {  	[smem:$0x3F9E] =	sst lr;
	_ =	strace $0xD0000000  }
0x3: {  	_ = 	snop  }
0x4: {  	_ = 	snop  }
0x5: {  	_ = 	snop  }
0x6: {  	_ = 	snop  }
0x7: {  	_ = 	snop  }
__scs_overlays_trampoline_lowered:
0x8: {  	[smem:$0x3FAD] =	sst s0  }
0x9: {  	[smem:$0x3FAE] =	sst s1  }
0xa: {  	[smem:$0x3FAF] =	sst s2  }
0xb: {  	[smem:$0x3FB0] =	sst s3  }
0xc: {  	[smem:$0x3FB1] =	sst s4  }
0xd: {  	[smem:$0x3FB2] =	sst s5  }
0xe: {  	[smem:$0x3FB3] =	sst s6  }
0xf: {  	[smem:$0x3FB4] =	sst s7  }
0x10: {  	[smem:$0x3FB5] =	sst s8  }
0x11: {  	[smem:$0x3FB6] =	sst s9;
	s0 =	simm.s32 @!p0 $0x0  }
0x12: {  	s1 =	sld [smem:$0x3F9C];
	s0 =	simm.s32 @p0 $0x1  }
0x13: {  	[smem:$0x3FB7] =	sst s0;
	s0 =	simm.s32 @!p1 $0x0  }
0x14: {  	s2 =	sld [smem:$0x3F9B];
	s0 =	simm.s32 @p1 $0x1  }
0x15: {  	[smem:$0x3FB8] =	sst s0;
	s0 =	simm.s32 @!p2 $0x0  }
0x16: {  	s3 =	sld [smem:$0x3FDB];
	s0 =	simm.s32 @p2 $0x1  }
0x17: {  	s4 =	simm.s32 $0x1BF5;
	[smem:$0x3FBA] =	sst s0  }
0x18: {  	s0 =	sld [smem:$0x3F9D];
	_ =	swait.ge [sflag:s4], $0x0  }
0x19: {  	s7 =	sld [smem:$0x3F9E]  }
0x1a: {  	s8 =	sadd.s32 $0xFFFFE003, lr  }
0x1b: {  	s9 =	sadd.s32 $0xFFFFFEF7, lr;
	s5 =	simm.s32 $0xFFFFFFFF;
	p2 =	slt.u32 s8, $0xFFFFF086  }
0x1c: {  	p1 =	slt.u32 s9, $0xF7A;
	s5 =	simm.s32 @!p2 $0x0  }
0x1d: {  	s5 =	simm.s32 @p1 $0x1;
	p0 =	seq.s32 s7, s2  }
0x1e: {  	s7 =	smul.u32 @!p0 $0xF7A, s2;
	p2 =	seq.s32 @!p0 s5, $0x0  }
0x1f: {  	s9 =	smul.u32 $0xF7A, s1;
	s8 =	simm.s32 @!p0 $0x1BF5;
	p2 =	por !p2, p0  }
0x20: {  	[sflag:s8] =	ssyncset.s32 @!p0 $0xFFFFF086;
	s6 =	sadd.s32 @!p0 s3, s7;
	s7 =	simm.s32 @!p0 $0x108  }
0x21: {  	s3 =	sadd.s32 s3, s9;
	s6 =	sadd.s32 @!p0 $0x88, s6;
	s7 =	simm.s32 @p2 $0x1082  }
0x22: {  	[simem:s7], [sflag:s8] =	dma.local @!p0 [hbm:s6], $0xF7A  }
0x23: {  	s9 =	sor.u32 $0xD0000000, s2;
	s6 =	simm.s32 $0x108;
	_ =	swait.ge @!p0 [sflag:s8], $0x0  }
0x24: {  	s3 =	sadd.s32 $0x88, s3;
	s6 =	simm.s32 @!p1 $0x1082;
	[sflag:s4] =	ssyncset.s32 $0xFFFFF086  }
0x25: {  	[simem:s6], [sflag:s4] =	dma.local [hbm:s3], $0xF7A  }
0x26: {  	[smem:$0x3F9E] =	sst s1;
	(tag) =	ssettag s2;
	_ =	strace s9  }
0x27: {  	s1 =	sld [smem:$0x3FAE]  }
0x28: {  	s2 =	sld [smem:$0x3FAF]  }
0x29: {  	s4 =	sld [smem:$0x3FB1]  }
0x2a: {  	p0 =	seq.s32 s5, $0x0;
	s5 =	sld [smem:$0x3FB2]  }
0x2b: {  	s6 =	sld [smem:$0x3FB3]  }
0x2c: {  	s7 =	sld [smem:$0x3FB4]  }
0x2d: {  	s3 =	simm.s32 $0x108;
	s8 =	sld [smem:$0x3FB5]  }
0x2e: {  	s3 =	simm.s32 @!p0 $0x1082;
	s9 =	sld [smem:$0x3FB6]  }
0x2f: {  	lr =	sadd.s32 s0, s3;
	s0 =	sld [smem:$0x3FAD]  }
0x30: {  	s3 =	sld [smem:$0x3FB0]  }
0x31: {  	[smem:$0x3FB9] =	sst s10  }
0x32: {  	s10 =	sld [smem:$0x3FB7];
	_ =	sdelay $0x3  }
0x33: {  	p0 =	seq.s32 s10, $0x1;
	s10 =	sld [smem:$0x3FB9];
	_ =	sdelay $0x3  }
0x34: {  	[smem:$0x3FB9] =	sst s10  }
0x35: {  	s10 =	sld [smem:$0x3FB8];
	_ =	sdelay $0x3  }
0x36: {  	p1 =	seq.s32 s10, $0x1;
	s10 =	sld [smem:$0x3FB9];
	_ =	sdelay $0x3  }
0x37: {  	[smem:$0x3FB9] =	sst s10  }
0x38: {  	s10 =	sld [smem:$0x3FBA]  }
0x39: {  	_ = 	snop;
	(pc) =	sbr.ind lr, $3  }
0x3a: {  	_ = 	snop  }
0x3b: {  	_ = 	snop  }
0x3c: {  	p2 =	seq.s32 s10, $0x1;
	s10 =	sld [smem:$0x3FB9]  }
0x3d: {  	_ =	shalt  }
0x3e: {  	_ =	shalt  }
0x3f: {  	_ =	shalt  }
0x40: {  	_ =	shalt  }
0x41: {  	_ =	shalt  }
0x42: {  	_ =	shalt  }
0x43: {  	_ =	shalt  }
0x44: {  	_ =	shalt  }
0x45: {  	_ =	shalt  }
0x46: {  	_ =	shalt  }
0x47: {  	_ =	shalt  }
0x48: {  	_ =	shalt  }
0x49: {  	_ =	shalt  }
0x4a: {  	_ =	shalt  }
0x4b: {  	_ =	shalt  }
0x4c: {  	_ =	shalt  }
0x4d: {  	_ =	shalt  }
0x4e: {  	_ =	shalt  }
0x4f: {  	_ =	shalt  }
0x50: {  	_ =	shalt  }
0x51: {  	_ =	shalt  }
0x52: {  	_ =	shalt  }
0x53: {  	_ =	shalt  }
0x54: {  	_ =	shalt  }
0x55: {  	_ =	shalt  }
0x56: {  	_ =	shalt  }
0x57: {  	_ =	shalt  }
0x58: {  	_ =	shalt  }
0x59: {  	_ =	shalt  }
0x5a: {  	_ =	shalt  }
0x5b: {  	_ =	shalt  }
0x5c: {  	_ =	shalt  }
0x5d: {  	_ =	shalt  }
0x5e: {  	_ =	shalt  }
0x5f: {  	_ =	shalt  }
0x60: {  	_ =	shalt  }
0x61: {  	_ =	shalt  }
0x62: {  	_ =	shalt  }
0x63: {  	_ =	shalt  }
0x64: {  	_ =	shalt  }
0x65: {  	_ =	shalt  }
0x66: {  	_ =	shalt  }
0x67: {  	_ =	shalt  }
0x68: {  	_ =	shalt  }
0x69: {  	_ =	shalt  }
0x6a: {  	_ =	shalt  }
0x6b: {  	_ =	shalt  }
0x6c: {  	_ =	shalt  }
0x6d: {  	_ =	shalt  }
0x6e: {  	_ =	shalt  }
0x6f: {  	_ =	shalt  }
0x70: {  	_ =	shalt  }
0x71: {  	_ =	shalt  }
0x72: {  	_ =	shalt  }
0x73: {  	_ =	shalt  }
0x74: {  	_ =	shalt  }
0x75: {  	_ =	shalt  }
0x76: {  	_ =	shalt  }
0x77: {  	_ =	shalt  }
0x78: {  	_ =	shalt  }
0x79: {  	_ =	shalt  }
0x7a: {  	_ =	shalt  }
0x7b: {  	_ =	shalt  }
0x7c: {  	_ =	shalt  }
0x7d: {  	_ =	shalt  }
0x7e: {  	_ =	shalt  }
0x7f: {  	_ =	shalt  }
0x80: {  	_ =	shalt  }
0x81: {  	_ =	shalt  }
0x82: {  	_ =	shalt  }
0x83: {  	_ =	shalt  }
0x84: {  	_ =	shalt  }
0x85: {  	_ =	shalt  }
0x86: {  	_ =	shalt  }
0x87: {  	_ =	shalt  }
.Lfunc_end0:
.L_simem_size_0:
called_computation_lowered:
.L_overlay_start_0:
0x88: {  	s2 =	sld [smem:$0x3FD9]  }
0x89: {  	s3 =	sld [smem:$0x3FFE];
	_ =	sdelay $0x1  }
0x8a: {  	s1 =	srdreg.scid  }
0x8b: {  	s0 =	sand.u32 $0x1, s1  }
0x8c: {  	s17 =	sshll.u32 s0, $0xA;
	s2 =	sadd.s32 s3, s2  }
0x8d: {  	s2 =	sadd.s32 s2, s17  }
0x8e: {  	[smem:$0x3FC5] =	sst s2  }
0x8f: {  	_ = 	snop  }
0x90: {  	s2 =	sld [smem:$0x3FD0];
	(tm) =	ssettm $0x1  }
0x91: {  	s18 =	sld [smem:$0x3FFB];
	_ =	sdelay $0x3  }
0x92: {  	_ =	strace s18  }
0x93: {  	s3 =	sld [smem:$0x3FFC];
	_ =	sdelay $0x3  }
0x94: {  	_ =	strace s3  }
0x95: {  	s3 =	sld [smem:$0x3FFD];
	_ =	sdelay $0x3  }
0x96: {  	_ =	strace s3  }
0x97: {  	_ =	strace $0x8FFFFFFF  }
0x98: {  	s19 =	sld [smem:$0x3FDB];
	_ =	sdelay $0x1  }
0x99: {  	s4 =	simm.s32 $_scs_section_size  }
0x9a: {  	s5 =	simm.s32 $_size__tile_overlayer_lowered;
	s6 =	simm.s32 $_tile_overlayer_lowered  }
0x9b: {  	s22 =	simm.s32 $0x1BFF;
	s21 =	sshll.u32 s6, $0x1;
	s3 =	sadd.s32 s4, s19  }
0x9c: {  	s7 =	simm.s32 $0x0;
	s20 =	sshll.u32 s5, $0x1;
	s5 =	sadd.s32 s21, s3  }
0x9d: {  	[timem:s7], [sflag:s22] =	dma.local [hbm:s5], s20  }
0x9e: {  	_ =	swait.ge [sflag:s22], s20  }
0x9f: {  	s4 =	ssub.s32 $0x0, s20;
	[sflag:s22] =	ssyncset.done $0x0  }
0xa0: {  	[sflag:s22] =	ssyncadd.s32 s4;
	_ =	sdelay $0x1  }
0xa1: {  	s23 =	simm.s32 $0x1B8B  }
0xa2: {  	_ =	swait.ge [sflag:s23], $0x1  }
0xa3: {  	[sflag:s23] =	ssyncset.done $0x0  }
0xa4: {  	s25 =	simm.s32 $0x1B8E;
	s24 =	sld [smem:$0x3FFE];
	[sflag:s23] =	ssyncadd.s32 $0xFFFFFFFF  }
0xa5: {  	s26 =	simm.s32 $execute0_lowered;
	[smem:$0x3FD2] =	sst s25  }
0xa6: {  	s5 =	sshll.u32 s26, $0x1;
	_ =	strace $0x80000046;
	[dreg:$0x1] =	wrdreg $0xFFFFFFFF  }
0xa7: {  	s28 =	simm.s32 $_size_execute0_lowered;
	s3 =	sadd.s32 s3, s5;
	[dreg:$0x0] =	wrdreg $0x0  }
0xa8: {  	s5 =	sshll.u32 s28, $0x1;
	[dreg:$0x2] =	wrdreg s3  }
0xa9: {  	[dreg:$0x3] =	wrdreg s5  }
0xaa: {  	[dreg:$0x4] =	wrdreg $0xC0  }
0xab: {  	_ =	task [dreg:s7], $0x5FFFF  }
0xac: {  	[dreg:$0x1] =	wrdreg $0xFFFFFFFF  }
0xad: {  	[dreg:$0x0] =	wrdreg $0x60  }
0xae: {  	[dreg:$0x2] =	wrdreg s24  }
0xaf: {  	[dreg:$0x3] =	wrdreg s2  }
0xb0: {  	[dreg:$0x4] =	wrdreg $0x0  }
0xb1: {  	[dreg:$0x5] =	wrdreg $0x18800  }
0xb2: {  	[dreg:$0x6] =	wrdreg $0x31000  }
0xb3: {  	[dreg:$0x7] =	wrdreg $0x49800  }
0xb4: {  	[dreg:$0x8] =	wrdreg $0x9  }
0xb5: {  	_ =	task.clear_ibuf [dreg:s7], $0x9FFFF;
	_ =	strace $0x90000046  }
0xb6: {  	s29 =	simm.s32 $0x9;
	_ =	strace $0x80000048  }
0xb7: {  	_ =	swait.ge [sflag:s29], $0x1  }
0xb8: {  	[sflag:s29] =	ssyncadd.s32 $0xFFFFFFFF  }
0xb9: {  	_ =	strace $0x90000048  }
0xba: {  	_ =	sfence  }
0xbb: {  	s30 =	sld [smem:$0x0];
	_ =	sdelay $0x2  }
0xbc: {  	s31 =	sshll.u32 s1, $0xD;
	s1 =	sshrl.u32 s1, $0x2  }
0xbd: {  	s3 =	sand.u32 $0x4000, s31;
	s1 =	sadd.s32 s1, s30  }
0xbe: {  	s0 =	sor.u32 s3, s0;
	s1 =	sshll.u32 s1, $0x11  }
0xbf: {  	s0 =	sor.u32 s1, s0  }
0xc0: {  	s0 =	sadd.s32 $0x8F2B, s0  }
0xc1: {  	[sflag:s0] =	ssyncadd.remote.s32 $0x1  }
0xc2: {  	_ =	sfence.sel $0xFFFF  }
0xc3: {  	[dreg:$0x0] =	wrdreg $0xFFFFFFFF;
	(pc) =	sbr.abs _section_cstart, $3  }
0xc4: {  	[dreg:$0x1] =	wrdreg $0xFFFFFFFF  }
0xc5: {  	_ =	task.clear_ibuf [dreg:s7], $0x2FFFF;
	_ =	strace $0x9FFFFFFF  }
0xc6: {  	(tm) =	ssettm $0x7FFFFFFF  }
0xc7: {  	_ =	shalt  }
tec
execute0_lowered:
.L_overlay_start_1:
0x0: {  	(tag) =	ssettag $0x1  }
0x1: {  	s0 =	rddreg [dreg:$0x0]  }
0x2: {  	s5 =	rddreg [dreg:$0x1]  }
0x3: {  	s1 =	rddreg [dreg:$0x2]  }
0x4: {  	s2 =	rddreg [dreg:$0x3]  }
0x5: {  	s3 =	rddreg [dreg:$0x4]  }
0x6: {  	s4 =	rddreg [dreg:$0x5];
	s19 =	simm.s32 $0x0;
	s18 =	stileid.u32  }
0x7: {  	s10 =	srdreg.scid;
	s31 =	simm.s32 $0x11200;
	s7 =	sadd.s32 $0x18DA00, s0  }
0x8: {  	[smem:$0x7FF] =	sst s19;
	s8 =	sadd.s32 $0x495800, s0;
	s6 =	smul.u32 $0x1880, s18  }
0x9: {  	s9 =	sadd.s32 $0x30D800, s0;
	s12 =	sand.u32 $0x1, s10;
	s13 =	smul.u32 $0x3100, s18  }
0xa: {  	s10 =	sadd.s32 $0x3D1800, s0;
	s11 =	sadd.s32 $0xC3600, s0;
	s23 =	sshll.u32 s18, $0x6  }
0xb: {  	_ =	strace $0x80000047;
	s14 =	sshll.u32 s12, $0x7;
	s22 =	ssub.s32 $0x2, s12  }
0xc: {  	s12 =	sshll.u32 s12, $0x4;
	s20 =	sor.u32 $0x1C04, s23;
	s15 =	sshrl.u32 s6, $0x3  }
0xd: {  	s13 =	sor.u32 s14, s13;
	s17 =	sshrl.u32 s22, $0x1;
	s14 =	sadd.s32 s6, s1  }
0xe: {  	s12 =	sor.u32 s18, s12;
	[dreg:$0x9] =	wrdreg s20;
	s16 =	sadd.s32 s15, s0  }
0xf: {  	s13 =	sshrl.u32 s13, $0x3;
	s5 =	sadd.s32 s5, s15;
	s15 =	sadd.s32 s6, s2  }
0x10: {  	s0 =	sadd.s32 s13, s0;
	[dreg:$0x8] =	wrdreg s5;
	s25 =	sadd.s32 $0x187600, s16  }
0x11: {  	s13 =	ssub.s32 s22, s17;
	s26 =	sadd.s32 $0x18A800, s16;
	[dreg:$0xa] =	wrdreg s25  }
0x12: {  	s17 =	sadd.s32 s6, s3;
	s6 =	sadd.s32 s6, s4;
	[dreg:$0xb] =	wrdreg s26  }
0x13: {  	s24 =	smul.u32 $0x31000, s12;
	s28 =	sadd.s32 $0x251A00, s16;
	[dreg:$0xc] =	wrdreg s6  }
0x14: {  	s29 =	simm.s32 $0x3;
	[dreg:$0xd] =	wrdreg s28;
	s0 =	sadd.s32 $0x254C00, s0  }
0x15: {  	s5 =	sshrl.u32 s24, $0x3;
	s24 =	smax.u32 s13, $0x1;
	[dreg:$0x13] =	wrdreg s0  }
0x16: {  	s18 =	smul.u32 $0x31, s12;
	s25 =	sshrl.u32 s14, $0x3;
	[dreg:$0x14] =	wrdreg s24  }
0x17: {  	s26 =	sshrl.u32 s15, $0x3;
	s28 =	sshrl.u32 s17, $0x3;
	[dreg:$0x15] =	wrdreg s25  }
0x18: {  	s30 =	sadd.s32 $0x1, s18;
	s5 =	sadd.s32 $0x6000, s5;
	[dreg:$0x16] =	wrdreg s26  }
0x19: {  	s14 =	simm.s32 $0x4;
	[dreg:$0x17] =	wrdreg s28;
	s16 =	sadd.s32 s7, s5  }
0x1a: {  	s17 =	simm.s32 $0x1000;
	s21 =	sadd.s32 s8, s5;
	[dreg:$0xe] =	wrdreg s16  }
0x1b: {  	s6 =	simm.s32 $0x2;
	s22 =	sadd.s32 s9, s5;
	[dreg:$0xf] =	wrdreg s21  }
0x1c: {  	s0 =	simm.s32 $0x6200;
	s23 =	sadd.s32 s10, s5;
	[dreg:$0x10] =	wrdreg s22  }
0x1d: {  	s24 =	simm.s32 $0x10200;
	s5 =	sadd.s32 s11, s5;
	[dreg:$0x11] =	wrdreg s23  }
0x1e: {  	s25 =	simm.s32 $0x12200;
	s26 =	simm.s32 $0x13200;
	[dreg:$0x12] =	wrdreg s5  }
0x1f: {  	s5 =	simm.s32 $0x7200;
	s16 =	simm.s32 $0x1;
	s23 =	simm.s32 $0xF200  }
.LBB2_1:
0x20: {  	[dreg:$0x7] =	wrdreg s19  }
0x21: {  	s12 =	rddreg [dreg:$0x8]  }
0x22: {  	s13 =	rddreg [dreg:$0x15]  }
0x23: {  	[spmem:s13], [sflag:s20] =	dma.local [hbm:s12], $0x310  }
0x24: {  	_ =	swait.ge [sflag:s14], $0x310  }
0x25: {  	[sflag:s14] =	ssyncset.done $0x0;
	s22 =	rddreg [dreg:$0xa]  }
0x26: {  	s28 =	rddreg [dreg:$0x16];
	[sflag:s14] =	ssyncadd.s32 $0xFFFFFCF0  }
0x27: {  	[spmem:s28], [sflag:s20] =	dma.local [hbm:s22], $0x310  }
0x28: {  	_ =	swait.ge [sflag:s14], $0x310  }
0x29: {  	[sflag:s14] =	ssyncset.done $0x0;
	s15 =	rddreg [dreg:$0xb]  }
0x2a: {  	s19 =	rddreg [dreg:$0x17];
	[sflag:s14] =	ssyncadd.s32 $0xFFFFFCF0  }
0x2b: {  	[spmem:s19], [sflag:s20] =	dma.local [hbm:s15], $0x310  }
0x2c: {  	_ =	swait.ge [sflag:s14], $0x310  }
0x2d: {  	s21 =	rddreg [dreg:$0xc]  }
0x2e: {  	[sflag:s14] =	ssyncset.done $0x0;
	s28 =	rddreg [dreg:$0xd];
	s22 =	sshrl.u32 s21, $0x3  }
0x2f: {  	[sflag:s14] =	ssyncadd.s32 $0xFFFFFCF0;
	[dreg:$0x18] =	wrdreg s22  }
0x30: {  	[spmem:s22], [sflag:s20] =	dma.local [hbm:s28], $0x310  }
0x31: {  	_ =	swait.ge [sflag:s14], $0x310  }
0x32: {  	[sflag:s14] =	ssyncset.done $0x0  }
0x33: {  	[sflag:s14] =	ssyncadd.s32 $0xFFFFFCF0  }
0x34: {  	s13 =	simm.s32 $0x0;
	[bflag:$0x0] =	sbarrier.arrive $0xFFFF  }
.LBB2_2:
0x35: {  	s12 =	sshll.u32 s13, $0x1  }
0x36: {  	s14 =	sadd.s32 s18, s12  }
0x37: {  	s14 =	sshll.u32 s14, $0x9  }
0x38: {  	s19 =	simm.s32 $0x0;
	s15 =	sadd.s32 s7, s14  }
0x39: {  	[tilespmem:s0], [sflag:$0x1] =	stream.linear.gather [hbm4b:s15+s19], $0x1000, $0x38;
	[tilespmem:$0x1E200] =	vst v63  }
0x3a: {  	s21 =	sadd.s32 s8, s14  }
0x3b: {  	[tilespmem:s5], [sflag:$0x1] =	stream.linear.gather [hbm4b:s21+s19], $0x1000, $0x38;
	[tilespmem:$0x1E200] =	vst v63  }
0x3c: {  	s20 =	simm.s32 $0x8200;
	s22 =	sadd.s32 s9, s14  }
0x3d: {  	[tilespmem:s20], [sflag:$0x1] =	stream.linear.gather [hbm4b:s22+s19], $0x1000, $0x38;
	[tilespmem:$0x1E200] =	vst v63  }
0x3e: {  	s21 =	simm.s32 $0x9200;
	s20 =	sadd.s32 s10, s14  }
0x3f: {  	[tilespmem:s21], [sflag:$0x1] =	stream.linear.gather [hbm4b:s20+s19], $0x1000, $0x38;
	[tilespmem:$0x1E200] =	vst v63  }
0x40: {  	s14 =	sadd.s32 s11, s14;
	s22 =	simm.s32 $0xA200  }
0x41: {  	[tilespmem:s22], [sflag:$0x1] =	stream.linear.gather [hbm4b:s14+s19], $0x1000, $0x38;
	[tilespmem:$0x1E200] =	vst v63  }
0x42: {  	_ =	swait.ge [sflag:s16], $0x1000  }
0x43: {  	[sflag:s16] =	ssyncset.done $0x0  }
0x44: {  	[sflag:s16] =	ssyncadd.s32 $0xFFFFF000  }
0x45: {  	_ =	swait.ge [sflag:s16], $0x1000  }
0x46: {  	[sflag:s16] =	ssyncset.done $0x0  }
0x47: {  	[sflag:s16] =	ssyncadd.s32 $0xFFFFF000  }
0x48: {  	_ =	swait.ge [sflag:s16], $0x1000  }
0x49: {  	[sflag:s16] =	ssyncset.done $0x0  }
0x4a: {  	[sflag:s16] =	ssyncadd.s32 $0xFFFFF000  }
0x4b: {  	_ =	swait.ge [sflag:s16], $0x1000  }
0x4c: {  	[sflag:s16] =	ssyncset.done $0x0  }
0x4d: {  	[sflag:s16] =	ssyncadd.s32 $0xFFFFF000  }
0x4e: {  	_ =	swait.ge [sflag:s16], $0x1000  }
0x4f: {  	[sflag:s16] =	ssyncset.done $0x0  }
0x50: {  	s15 =	simm.s32 $0xB200;
	[sflag:s16] =	ssyncadd.s32 $0xFFFFF000  }
0x51: {  	[tilespmem:s15], [sflag:$0x2] =	stream.indirect.gather [spmem:s1], $0x1, s0, s17, $0xb8;
	[tilespmem:$0x1E200] =	vst v63  }
0x52: {  	s20 =	simm.s32 $0xC200  }
0x53: {  	[tilespmem:s20], [sflag:$0x2] =	stream.indirect.gather [spmem:s2], $0x1, s0, s17, $0xb8;
	[tilespmem:$0x1E200] =	vst v63  }
0x54: {  	s21 =	simm.s32 $0xD200  }
0x55: {  	[tilespmem:s21], [sflag:$0x2] =	stream.indirect.gather [spmem:s3], $0x1, s0, s17, $0xb8;
	[tilespmem:$0x1E200] =	vst v63  }
0x56: {  	s12 =	sadd.s32 s12, s30;
	s22 =	simm.s32 $0xE200  }
0x57: {  	[tilespmem:s22], [sflag:$0x2] =	stream.indirect.gather [spmem:s1], $0x1, s5, s17, $0xb8;
	[tilespmem:$0x1E200] =	vst v63  }
0x58: {  	s12 =	sshll.u32 s12, $0x9  }
0x59: {  	[tilespmem:s23], [sflag:$0x2] =	stream.indirect.gather [spmem:s2], $0x1, s5, s17, $0xb8;
	[tilespmem:$0x1E200] =	vst v63  }
0x5a: {  	s12 =	sand.u32 $0x1FFFFE00, s12  }
0x5b: {  	[tilespmem:s24], [sflag:$0x2] =	stream.indirect.gather [spmem:s3], $0x1, s5, s17, $0xb8;
	[tilespmem:$0x1E200] =	vst v63  }
0x5c: {  	s15 =	sadd.s32 s7, s12  }
0x5d: {  	[tilespmem:s25], [sflag:$0x1] =	stream.linear.gather [hbm4b:s15+s19], $0x1000, $0x38;
	[tilespmem:$0x1E200] =	vst v63  }
0x5e: {  	s20 =	sadd.s32 s8, s12  }
0x5f: {  	[tilespmem:s26], [sflag:$0x1] =	stream.linear.gather [hbm4b:s20+s19], $0x1000, $0x38;
	[tilespmem:$0x1E200] =	vst v63  }
0x60: {  	s21 =	sadd.s32 s9, s12;
	s22 =	simm.s32 $0x14200  }
0x61: {  	[tilespmem:s22], [sflag:$0x1] =	stream.linear.gather [hbm4b:s21+s19], $0x1000, $0x38;
	[tilespmem:$0x1E200] =	vst v63  }
0x62: {  	s20 =	sadd.s32 s10, s12;
	s21 =	simm.s32 $0x15200  }
0x63: {  	[tilespmem:s21], [sflag:$0x1] =	stream.linear.gather [hbm4b:s20+s19], $0x1000, $0x38;
	[tilespmem:$0x1E200] =	vst v63  }
0x64: {  	s12 =	sadd.s32 s11, s12;
	s22 =	simm.s32 $0x16200  }
0x65: {  	[tilespmem:s22], [sflag:$0x1] =	stream.linear.gather [hbm4b:s12+s19], $0x1000, $0x38;
	[tilespmem:$0x1E200] =	vst v63  }
0x66: {  	_ =	swait.ge [sflag:s6], $0x1000  }
0x67: {  	[sflag:s6] =	ssyncset.done $0x0  }
0x68: {  	[sflag:s6] =	ssyncadd.s32 $0xFFFFF000  }
0x69: {  	_ =	swait.ge [sflag:s6], $0x1000  }
0x6a: {  	[sflag:s6] =	ssyncset.done $0x0  }
0x6b: {  	[sflag:s6] =	ssyncadd.s32 $0xFFFFF000  }
0x6c: {  	_ =	swait.ge [sflag:s6], $0x1000  }
0x6d: {  	[sflag:s6] =	ssyncset.done $0x0  }
0x6e: {  	[sflag:s6] =	ssyncadd.s32 $0xFFFFF000  }
0x6f: {  	_ =	swait.ge [sflag:s6], $0x1000  }
0x70: {  	[sflag:s6] =	ssyncset.done $0x0  }
0x71: {  	[sflag:s6] =	ssyncadd.s32 $0xFFFFF000  }
0x72: {  	_ =	swait.ge [sflag:s6], $0x1000  }
0x73: {  	[sflag:s6] =	ssyncset.done $0x0  }
0x74: {  	[sflag:s6] =	ssyncadd.s32 $0xFFFFF000  }
0x75: {  	_ =	swait.ge [sflag:s6], $0x1000  }
0x76: {  	[sflag:s6] =	ssyncset.done $0x0  }
0x77: {  	s28 =	simm.s32 $0x0;
	[sflag:s6] =	ssyncadd.s32 $0xFFFFF000  }
0x78: {  	v0 =	vld [tilespmem:s28+$0xE200]  }
0x79: {  	v1 =	vld [tilespmem:s28+$0xB200]  }
0x7a: {  	v2 =	vld [tilespmem:s28+$0xF200]  }
0x7b: {  	v3 =	vld [tilespmem:s28+$0xC200]  }
0x7c: {  	v4 =	vld [tilespmem:s28+$0x8200]  }
0x7d: {  	v6 =	vld [tilespmem:s28+$0x10200]  }
0x7e: {  	v7 =	vld [tilespmem:s28+$0xD200]  }
0x7f: {  	v5 =	vld [tilespmem:s28+$0x9200];
	_ =	sdelay $0x1  }
0x80: {  	v0 =	vsub.f32 v0, v1;
	v1 =	vld [tilespmem:s28+$0xA200]  }
0x81: {  	s12 =	simm.s32 $0x10;
	v2 =	vsub.f32 v2, v3  }
0x82: {  	v8 =	vld [tilespmem:s12+$0x8200];
	v6 =	vsub.f32 v6, v7  }
0x83: {  	v3 =	vld [tilespmem:s12+$0xE200];
	v0 =	vadd.f32 v4, v0;
	v2 =	vadd.f32 v5, v2  }
0x84: {  	v7 =	vld [tilespmem:s12+$0xC200]  }
0x85: {  	v4 =	vld [tilespmem:s12+$0xB200];
	v0 =	vmul.f32 v0, v0;
	v2 =	vmul.f32 v2, v2;
	v1 =	vadd.f32 v1, v6  }
0x86: {  	v5 =	vld [tilespmem:s12+$0xF200]  }
0x87: {  	v9 =	vld [tilespmem:s12+$0xD200];
	v0 =	vadd.f32 v2, v0;
	v1 =	vmul.f32 v1, v1  }
0x88: {  	v6 =	vld [tilespmem:s12+$0x9200]  }
0x89: {  	v2 =	vld [tilespmem:s12+$0x10200];
	v0 =	vadd.f32 v1, v0  }
0x8a: {  	v1 =	vsub.f32 v3, v4  }
0x8b: {  	v3 =	vld [tilespmem:s12+$0xA200];
	v4 =	vsub.f32 v5, v7;
	v5 =	vmax.f32 v0, $1.000000020e-35  }
0x8c: {  	s14 =	simm.s32 $0x20;
	v0 =	vadd.f32 v8, v1;
	v7 =	vshra.s32 v5, $0x1;
	v8 =	vmul.f32 $5.000000000e-01, v5  }
0x8d: {  	v11 =	vld [tilespmem:s14+$0xC200];
	v7 =	vsub.s32 $0x5F3759DF, v7  }
0x8e: {  	v12 =	vld [tilespmem:s14+$0x9200];
	v4 =	vadd.f32 v6, v4;
	v2 =	vsub.f32 v2, v9;
	v10 =	vmul.f32 v7, v8  }
0x8f: {  	v13 =	vld [tilespmem:s14+$0xD200];
	v0 =	vmul.f32 v0, v0  }
0x90: {  	v1 =	vld [tilespmem:s14+$0xE200];
	v4 =	vmul.f32 v4, v4;
	v2 =	vadd.f32 v3, v2;
	v10 =	vmul.f32 v7, v10  }
0x91: {  	v6 =	vld [tilespmem:s14+$0xB200]  }
0x92: {  	v9 =	vld [tilespmem:s14+$0xF200];
	v0 =	vadd.f32 v4, v0;
	v2 =	vmul.f32 v2, v2;
	v4 =	vsub.f32 $1.500000000e+00, v10  }
0x93: {  	v3 =	vld [tilespmem:s14+$0x8200]  }
0x94: {  	v10 =	vld [tilespmem:s14+$0x10200];
	v0 =	vadd.f32 v2, v0;
	v2 =	vmul.f32 v7, v4;
	_ =	sdelay $0x1  }
0x95: {  	v1 =	vsub.f32 v1, v6;
	v6 =	vld [tilespmem:s14+$0xA200];
	v14 =	vmax.f32 v0, $1.000000020e-35;
	v0 =	vmul.f32 v2, v8  }
0x96: {  	s15 =	simm.s32 $0x30;
	v4 =	vsub.f32 v9, v11;
	v7 =	vshra.s32 v14, $0x1;
	v9 =	vmul.f32 $5.000000000e-01, v14  }
0x97: {  	v15 =	vld [tilespmem:s15+$0xC200];
	v1 =	vadd.f32 v3, v1;
	v7 =	vsub.s32 $0x5F3759DF, v7;
	v0 =	vmul.f32 v0, v2  }
0x98: {  	v11 =	vld [tilespmem:s15+$0xB200];
	v3 =	vadd.f32 v12, v4;
	v10 =	vsub.f32 v10, v13;
	v12 =	vmul.f32 v7, v9  }
0x99: {  	v1 =	vmul.f32 v1, v1;
	v4 =	vld [tilespmem:s15+$0xE200];
	v0 =	vsub.f32 $1.500000000e+00, v0  }
0x9a: {  	v13 =	vld [tilespmem:s15+$0xF200];
	v3 =	vmul.f32 v3, v3;
	v6 =	vadd.f32 v6, v10;
	v10 =	vmul.f32 v7, v12  }
0x9b: {  	v12 =	vld [tilespmem:s15+$0x8200];
	v2 =	vmul.f32 v0, v2  }
0x9c: {  	v1 =	vadd.f32 v3, v1;
	v3 =	vld [tilespmem:s15+$0x9200];
	v0 =	vmul.f32 v6, v6;
	v6 =	vsub.f32 $1.500000000e+00, v10  }
0x9d: {  	v16 =	vld [tilespmem:s15+$0xD200];
	v8 =	vmul.f32 v2, v8  }
0x9e: {  	v10 =	vld [tilespmem:s15+$0x10200];
	v0 =	vadd.f32 v0, v1;
	v6 =	vmul.f32 v7, v6;
	v1 =	vsub.f32 v4, v11  }
0x9f: {  	v4 =	vsub.f32 v13, v15;
	v8 =	vmul.f32 v8, v2  }
0xa0: {  	s19 =	simm.s32 $0x40;
	v7 =	vld [tilespmem:s15+$0xA200];
	v0 =	vmax.f32 v0, $1.000000020e-35;
	v11 =	vmul.f32 v6, v9;
	v12 =	vadd.f32 v12, v1  }
0xa1: {  	v17 =	vld [tilespmem:s19+$0xB200];
	v3 =	vadd.f32 v3, v4;
	v15 =	vshra.s32 v0, $0x1;
	v1 =	vmul.f32 $5.000000000e-01, v0  }
0xa2: {  	v13 =	vld [tilespmem:s19+$0xE200];
	v8 =	vsub.f32 $1.500000000e+00, v8;
	v15 =	vsub.s32 $0x5F3759DF, v15;
	v11 =	vmul.f32 v11, v6  }
0xa3: {  	v18 =	vld [tilespmem:s19+$0xC200];
	v10 =	vsub.f32 v10, v16;
	v16 =	vmul.f32 v15, v1  }
0xa4: {  	v4 =	vld [tilespmem:s19+$0xF200];
	v3 =	vmul.f32 v3, v3;
	v2 =	vmul.f32 v8, v2;
	v11 =	vsub.f32 $1.500000000e+00, v11  }
0xa5: {  	v7 =	vadd.f32 v7, v10;
	v8 =	vmul.f32 v12, v12;
	v12 =	vld [tilespmem:s19+$0x8200];
	v10 =	vmul.f32 v15, v16  }
0xa6: {  	v16 =	vld [tilespmem:s19+$0x9200];
	v2 =	vmul.f32 v2, v5;
	v6 =	vmul.f32 v11, v6  }
0xa7: {  	v3 =	vadd.f32 v3, v8;
	v5 =	vmul.f32 v7, v7;
	v8 =	vsub.f32 v13, v17  }
0xa8: {  	v11 =	vld [tilespmem:s19+$0xD200];
	v7 =	vsub.f32 $1.500000000e+00, v10;
	v2 =	vadd.f32 v2, v2  }
0xa9: {  	v4 =	vsub.f32 v4, v18;
	v10 =	vld [tilespmem:s19+$0x10200];
	v9 =	vmul.f32 v6, v9;
	v3 =	vadd.f32 v5, v3  }
0xaa: {  	v17 =	vmul.f32 v15, v7;
	v12 =	vadd.f32 v12, v8;
	v5 =	vsub.f32 $-6.931471820e-01, v2  }
0xab: {  	s20 =	simm.s32 $0x50;
	v13 =	vld [tilespmem:s19+$0xA200];
	v8 =	vmul.f32 v9, v6;
	v4 =	vadd.f32 v16, v4;
	v2 =	vmax.f32 v3, $1.000000020e-35  }
0xac: {  	v7 =	vld [tilespmem:s20+$0xE200];
	v9 =	vmul.f32 v17, v1;
	v15 =	vshra.s32 v2, $0x1;
	v63 =	vmul.f32 $1.442695020e+00, v5  }
0xad: {  	v3 =	vmul.f32 $5.000000000e-01, v2;
	v16 =	vsub.f32 $1.500000000e+00, v8;
	v8 =	vld [tilespmem:s20+$0xB200];
	v5 =	vsub.s32 $0x5F3759DF, v15  }
0xae: {  	v19 =	vsub.f32 v10, v11;
	v11 =	vld [tilespmem:s20+$0xC200];
	v15 =	vmul.f32 v9, v17;
	(erf) = vpow2.f32 v63  }
0xaf: {  	v9 =	vld [tilespmem:s20+$0xF200];
	v20 =	vmul.f32 v5, v3;
	v6 =	vmul.f32 v16, v6  }
0xb0: {  	v4 =	vmul.f32 v4, v4;
	v10 =	vld [tilespmem:s20+$0x8200];
	v16 =	vmul.f32 v12, v12;
	v21 =	vsub.f32 $1.500000000e+00, v15  }
0xb1: {  	v15 =	vadd.f32 v13, v19;
	v12 =	vmul.f32 v5, v20;
	v13 =	vld [tilespmem:s20+$0x9200];
	v6 =	vmul.f32 v6, v14  }
0xb2: {  	s21 =	simm.s32 $0x180;
	v14 =	vadd.f32 v4, v16;
	v4 =	vmul.f32 v21, v17  }
.LBB2_3:
0xb3: {  	p0 =	sne.s32 s21, $0x3FC0;
	v15 =	vmul.f32 v15, v15;
	v12 =	vsub.f32 $1.500000000e+00, v12;
	v6 =	vadd.f32 v6, v6  }
0xb4: {  	v7 =	vsub.f32 v7, v8;
	v8 =	vsub.f32 v9, v11;
	v16 =	vld [tilespmem:s20+$0x10200];
	v9 =	vmul.f32 v4, v1;
	v1 =	vmovc v3  }
0xb5: {  	v17 =	vld [tilespmem:s20+$0xD200];
	v3 =	vadd.f32 v15, v14;
	v18 =	vmul.f32 v5, v12;
	v15 =	vsub.f32 $-6.931471820e-01, v6  }
0xb6: {  	s22 =	sshra.s32 s21, $0x2;
	v6 =	vadd.f32 v10, v7;
	v12 =	vadd.f32 v13, v8;
	v14 =	vld [tilespmem:s20+$0xA200];
	v9 =	vmul.f32 v9, v4  }
0xb7: {  	v7 =	vld [tilespmem:s22+$0xE200];
	v19 =	vmax.f32 v3, $1.000000020e-35;
	v10 =	vmul.f32 v18, v1;
	v11 =	vmul.f32 $1.442695020e+00, v15;
	v5 =	vpop (erf)  }
0xb8: {  	v8 =	vld [tilespmem:s22+$0xB200];
	v13 =	vshra.s32 v19, $0x1;
	v3 =	vmul.f32 $5.000000000e-01, v19;
	v15 =	vsub.f32 $1.500000000e+00, v9;
	[tilespmem:s28+$0x11200] =	vst v5;
	s28 =	smov.u32 s12;
	s12 =	smov.u32 s14;
	s14 =	smov.u32 s15  }
.Ltmp0:
0xb9: {  	s15 =	smov.u32 s19;
	s19 =	smov.u32 s20;
	v9 =	vld [tilespmem:s22+$0xF200];
	v5 =	vsub.s32 $0x5F3759DF, v13;
	v13 =	vmul.f32 v10, v18;
	(erf) = vpow2.f32 v11;
	(pc) =	sbr.rel @p0 .LBB2_3-.Ltmp0, $4  }
0xba: {  	s20 =	smov.u32 s22;
	v11 =	vld [tilespmem:s22+$0xC200];
	v16 =	vsub.f32 v16, v17;
	v17 =	vmul.f32 v5, v3;
	v4 =	vmul.f32 v15, v4  }
0xbb: {  	v20 =	vmul.f32 v6, v6;
	v21 =	vmul.f32 v12, v12;
	v10 =	vld [tilespmem:s20+$0x8200];
	v22 =	vsub.f32 $1.500000000e+00, v13  }
0xbc: {  	v13 =	vld [tilespmem:s20+$0x9200];
	v15 =	vadd.f32 v14, v16;
	v12 =	vmul.f32 v5, v17;
	v6 =	vmul.f32 v4, v0;
	v0 =	vmovc v2  }
0xbd: {  	s21 =	sadd.s32 $0x40, s21;
	v14 =	vadd.f32 v21, v20;
	v2 =	vmov v19;
	v4 =	vmul.f32 v22, v18  }
0xbe: {  	v16 =	vld [tilespmem:s20+$0x10200]  }
0xbf: {  	v17 =	vld [tilespmem:s20+$0xD200];
	_ =	sdelay $0x1  }
0xc0: {  	v7 =	vsub.f32 v7, v8;
	v8 =	vld [tilespmem:s20+$0xA200]  }
0xc1: {  	v9 =	vsub.f32 v9, v11  }
0xc2: {  	v7 =	vadd.f32 v10, v7  }
0xc3: {  	v9 =	vadd.f32 v13, v9;
	v10 =	vsub.f32 v16, v17;
	_ =	sdelay $0x1  }
0xc4: {  	v7 =	vmul.f32 v7, v7;
	v9 =	vmul.f32 v9, v9;
	v8 =	vadd.f32 v8, v10  }
0xc5: {  	v10 =	vmul.f32 v15, v15  }
0xc6: {  	v7 =	vadd.f32 v9, v7;
	v8 =	vmul.f32 v8, v8  }
0xc7: {  	v9 =	vadd.f32 v10, v14  }
0xc8: {  	v7 =	vadd.f32 v8, v7  }
0xc9: {  	v8 =	vmax.f32 v9, $1.000000020e-35  }
0xca: {  	v9 =	vshra.s32 v8, $0x1;
	v10 =	vmul.f32 $5.000000000e-01, v8;
	v7 =	vmax.f32 v7, $1.000000020e-35  }
0xcb: {  	v9 =	vsub.s32 $0x5F3759DF, v9;
	v11 =	vshra.s32 v7, $0x1;
	v13 =	vmul.f32 $5.000000000e-01, v7  }
0xcc: {  	v14 =	vmul.f32 v9, v10;
	v11 =	vsub.s32 $0x5F3759DF, v11  }
0xcd: {  	v15 =	vmul.f32 v11, v13  }
0xce: {  	v14 =	vmul.f32 v9, v14  }
0xcf: {  	v12 =	vsub.f32 $1.500000000e+00, v12;
	v15 =	vmul.f32 v11, v15  }
0xd0: {  	v14 =	vsub.f32 $1.500000000e+00, v14  }
0xd1: {  	v5 =	vmul.f32 v5, v12;
	v12 =	vsub.f32 $1.500000000e+00, v15  }
0xd2: {  	v9 =	vmul.f32 v9, v14  }
0xd3: {  	v14 =	vmul.f32 v5, v3;
	v11 =	vmul.f32 v11, v12  }
0xd4: {  	v12 =	vmul.f32 v9, v10  }
0xd5: {  	v14 =	vmul.f32 v14, v5;
	v15 =	vmul.f32 v11, v13  }
0xd6: {  	v12 =	vmul.f32 v12, v9  }
0xd7: {  	v14 =	vsub.f32 $1.500000000e+00, v14;
	v15 =	vmul.f32 v15, v11  }
0xd8: {  	v12 =	vsub.f32 $1.500000000e+00, v12  }
0xd9: {  	v5 =	vmul.f32 v14, v5;
	v14 =	vsub.f32 $1.500000000e+00, v15  }
0xda: {  	v1 =	vmul.f32 v4, v1;
	v9 =	vmul.f32 v12, v9  }
0xdb: {  	v3 =	vmul.f32 v5, v3;
	v11 =	vmul.f32 v14, v11  }
0xdc: {  	v1 =	vmul.f32 v1, v4;
	v10 =	vmul.f32 v9, v10  }
0xdd: {  	v3 =	vmul.f32 v3, v5;
	v12 =	vmul.f32 v11, v13  }
0xde: {  	v1 =	vsub.f32 $1.500000000e+00, v1;
	v10 =	vmul.f32 v10, v9  }
0xdf: {  	v3 =	vsub.f32 $1.500000000e+00, v3;
	v12 =	vmul.f32 v12, v11  }
0xe0: {  	v1 =	vmul.f32 v1, v4;
	v4 =	vsub.f32 $1.500000000e+00, v10  }
0xe1: {  	v3 =	vmul.f32 v3, v5;
	v5 =	vsub.f32 $1.500000000e+00, v12  }
0xe2: {  	v0 =	vmul.f32 v1, v0;
	v1 =	vmul.f32 v4, v9  }
0xe3: {  	v4 =	vadd.f32 v6, v6;
	v2 =	vmul.f32 v3, v2;
	v3 =	vmul.f32 v5, v11  }
0xe4: {  	v0 =	vadd.f32 v0, v0;
	v1 =	vmul.f32 v1, v8  }
0xe5: {  	v4 =	vsub.f32 $-6.931471820e-01, v4;
	v2 =	vadd.f32 v2, v2;
	v3 =	vmul.f32 v3, v7  }
0xe6: {  	v0 =	vsub.f32 $-6.931471820e-01, v0;
	v1 =	vadd.f32 v1, v1  }
0xe7: {  	v4 =	vmul.f32 $1.442695020e+00, v4;
	v2 =	vsub.f32 $-6.931471820e-01, v2;
	v3 =	vadd.f32 v3, v3  }
0xe8: {  	v0 =	vmul.f32 $1.442695020e+00, v0;
	v1 =	vsub.f32 $-6.931471820e-01, v1  }
0xe9: {  	(erf) = vpow2.f32 v4;
	v2 =	vmul.f32 $1.442695020e+00, v2;
	v3 =	vsub.f32 $-6.931471820e-01, v3  }
0xea: {  	(erf) = vpow2.f32 v0;
	v0 =	vmul.f32 $1.442695020e+00, v1  }
0xeb: {  	(erf) = vpow2.f32 v2;
	v1 =	vmul.f32 $1.442695020e+00, v3  }
0xec: {  	(erf) = vpow2.f32 v0  }
0xed: {  	(erf) = vpow2.f32 v1;
	_ =	sdelay $0x3  }
0xee: {  	v0 =	vpop (erf)  }
0xef: {  	[tilespmem:s28+$0x11200] =	vst v0;
	v1 =	vpop (erf)  }
0xf0: {  	v0 =	vpop (erf);
	[tilespmem:s12+$0x11200] =	vst v1  }
0xf1: {  	v1 =	vpop (erf);
	[tilespmem:s14+$0x11200] =	vst v0  }
0xf2: {  	[tilespmem:s15+$0x11200] =	vst v1;
	v0 =	vpop (erf)  }
0xf3: {  	[tilespmem:s19+$0x11200] =	vst v0;
	v0 =	vpop (erf)  }
0xf4: {  	[tilespmem:s20+$0x11200] =	vst v0  }
0xf5: {  	[spmem:s4] =	stream.indirect.scatter.add.f32 [tilespmem:s31], [sflag:$0x3], $0x1, s5, s17, $0xb8;
	[tilespmem:$0x1E200] =	vst v63  }
0xf6: {  	_ =	swait.ge [sflag:s16], $0x1000  }
0xf7: {  	[sflag:s16] =	ssyncset.done $0x0  }
0xf8: {  	[sflag:s16] =	ssyncadd.s32 $0xFFFFF000  }
0xf9: {  	_ =	swait.ge [sflag:s16], $0x1000  }
0xfa: {  	[sflag:s16] =	ssyncset.done $0x0  }
0xfb: {  	[sflag:s16] =	ssyncadd.s32 $0xFFFFF000  }
0xfc: {  	_ =	swait.ge [sflag:s16], $0x1000  }
0xfd: {  	[sflag:s16] =	ssyncset.done $0x0  }
0xfe: {  	[sflag:s16] =	ssyncadd.s32 $0xFFFFF000  }
0xff: {  	_ =	swait.ge [sflag:s16], $0x1000  }
0x100: {  	[sflag:s16] =	ssyncset.done $0x0  }
0x101: {  	[sflag:s16] =	ssyncadd.s32 $0xFFFFF000  }
0x102: {  	_ =	swait.ge [sflag:s16], $0x1000  }
0x103: {  	[sflag:s16] =	ssyncset.done $0x0  }
0x104: {  	s14 =	simm.s32 $0x17200;
	[sflag:s16] =	ssyncadd.s32 $0xFFFFF000  }
0x105: {  	[tilespmem:s14], [sflag:$0x2] =	stream.indirect.gather [spmem:s1], $0x1, s25, s17, $0xb8;
	[tilespmem:$0x1E200] =	vst v63  }
0x106: {  	s15 =	simm.s32 $0x18200  }
0x107: {  	[tilespmem:s15], [sflag:$0x2] =	stream.indirect.gather [spmem:s2], $0x1, s25, s17, $0xb8;
	[tilespmem:$0x1E200] =	vst v63  }
0x108: {  	s19 =	simm.s32 $0x19200  }
0x109: {  	[tilespmem:s19], [sflag:$0x2] =	stream.indirect.gather [spmem:s3], $0x1, s25, s17, $0xb8;
	[tilespmem:$0x1E200] =	vst v63  }
0x10a: {  	s20 =	simm.s32 $0x1A200  }
0x10b: {  	[tilespmem:s20], [sflag:$0x2] =	stream.indirect.gather [spmem:s1], $0x1, s26, s17, $0xb8;
	[tilespmem:$0x1E200] =	vst v63  }
0x10c: {  	s21 =	simm.s32 $0x1B200  }
0x10d: {  	[tilespmem:s21], [sflag:$0x2] =	stream.indirect.gather [spmem:s2], $0x1, s26, s17, $0xb8;
	[tilespmem:$0x1E200] =	vst v63  }
0x10e: {  	s22 =	simm.s32 $0x1C200  }
0x10f: {  	[tilespmem:s22], [sflag:$0x2] =	stream.indirect.gather [spmem:s3], $0x1, s26, s17, $0xb8;
	[tilespmem:$0x1E200] =	vst v63  }
0x110: {  	_ =	swait.ge [sflag:s6], $0x1000  }
0x111: {  	[sflag:s6] =	ssyncset.done $0x0  }
0x112: {  	[sflag:s6] =	ssyncadd.s32 $0xFFFFF000  }
0x113: {  	_ =	swait.ge [sflag:s6], $0x1000  }
0x114: {  	[sflag:s6] =	ssyncset.done $0x0  }
0x115: {  	[sflag:s6] =	ssyncadd.s32 $0xFFFFF000  }
0x116: {  	_ =	swait.ge [sflag:s6], $0x1000  }
0x117: {  	[sflag:s6] =	ssyncset.done $0x0  }
0x118: {  	[sflag:s6] =	ssyncadd.s32 $0xFFFFF000  }
0x119: {  	_ =	swait.ge [sflag:s6], $0x1000  }
0x11a: {  	[sflag:s6] =	ssyncset.done $0x0  }
0x11b: {  	[sflag:s6] =	ssyncadd.s32 $0xFFFFF000  }
0x11c: {  	_ =	swait.ge [sflag:s6], $0x1000  }
0x11d: {  	[sflag:s6] =	ssyncset.done $0x0  }
0x11e: {  	[sflag:s6] =	ssyncadd.s32 $0xFFFFF000  }
0x11f: {  	_ =	swait.ge [sflag:s6], $0x1000  }
0x120: {  	[sflag:s6] =	ssyncset.done $0x0  }
0x121: {  	s28 =	simm.s32 $0x0;
	[sflag:s6] =	ssyncadd.s32 $0xFFFFF000  }
0x122: {  	v0 =	vld [tilespmem:s28+$0x1A200]  }
0x123: {  	v1 =	vld [tilespmem:s28+$0x17200]  }
0x124: {  	v2 =	vld [tilespmem:s28+$0x1B200]  }
0x125: {  	v3 =	vld [tilespmem:s28+$0x18200]  }
0x126: {  	v4 =	vld [tilespmem:s28+$0x14200]  }
0x127: {  	v6 =	vld [tilespmem:s28+$0x1C200]  }
0x128: {  	v7 =	vld [tilespmem:s28+$0x19200]  }
0x129: {  	v5 =	vld [tilespmem:s28+$0x15200];
	_ =	sdelay $0x1  }
0x12a: {  	v0 =	vsub.f32 v0, v1;
	v1 =	vld [tilespmem:s28+$0x16200]  }
0x12b: {  	s12 =	simm.s32 $0x10;
	v2 =	vsub.f32 v2, v3  }
0x12c: {  	v8 =	vld [tilespmem:s12+$0x14200];
	v6 =	vsub.f32 v6, v7  }
0x12d: {  	v3 =	vld [tilespmem:s12+$0x1A200];
	v0 =	vadd.f32 v4, v0;
	v2 =	vadd.f32 v5, v2  }
0x12e: {  	v7 =	vld [tilespmem:s12+$0x18200]  }
0x12f: {  	v4 =	vld [tilespmem:s12+$0x17200];
	v0 =	vmul.f32 v0, v0;
	v2 =	vmul.f32 v2, v2;
	v1 =	vadd.f32 v1, v6  }
0x130: {  	v5 =	vld [tilespmem:s12+$0x1B200]  }
0x131: {  	v9 =	vld [tilespmem:s12+$0x19200];
	v0 =	vadd.f32 v2, v0;
	v1 =	vmul.f32 v1, v1  }
0x132: {  	v6 =	vld [tilespmem:s12+$0x15200]  }
0x133: {  	v2 =	vld [tilespmem:s12+$0x1C200];
	v0 =	vadd.f32 v1, v0  }
0x134: {  	v1 =	vsub.f32 v3, v4  }
0x135: {  	v3 =	vld [tilespmem:s12+$0x16200];
	v4 =	vsub.f32 v5, v7;
	v5 =	vmax.f32 v0, $1.000000020e-35  }
0x136: {  	s14 =	simm.s32 $0x20;
	v0 =	vadd.f32 v8, v1;
	v7 =	vshra.s32 v5, $0x1;
	v8 =	vmul.f32 $5.000000000e-01, v5  }
0x137: {  	v11 =	vld [tilespmem:s14+$0x18200];
	v7 =	vsub.s32 $0x5F3759DF, v7  }
0x138: {  	v12 =	vld [tilespmem:s14+$0x15200];
	v4 =	vadd.f32 v6, v4;
	v2 =	vsub.f32 v2, v9;
	v10 =	vmul.f32 v7, v8  }
0x139: {  	v13 =	vld [tilespmem:s14+$0x19200];
	v0 =	vmul.f32 v0, v0  }
0x13a: {  	v1 =	vld [tilespmem:s14+$0x1A200];
	v4 =	vmul.f32 v4, v4;
	v2 =	vadd.f32 v3, v2;
	v10 =	vmul.f32 v7, v10  }
0x13b: {  	v6 =	vld [tilespmem:s14+$0x17200]  }
0x13c: {  	v9 =	vld [tilespmem:s14+$0x1B200];
	v0 =	vadd.f32 v4, v0;
	v2 =	vmul.f32 v2, v2;
	v4 =	vsub.f32 $1.500000000e+00, v10  }
0x13d: {  	v3 =	vld [tilespmem:s14+$0x14200]  }
0x13e: {  	v10 =	vld [tilespmem:s14+$0x1C200];
	v0 =	vadd.f32 v2, v0;
	v2 =	vmul.f32 v7, v4;
	_ =	sdelay $0x1  }
0x13f: {  	v1 =	vsub.f32 v1, v6;
	v6 =	vld [tilespmem:s14+$0x16200];
	v14 =	vmax.f32 v0, $1.000000020e-35;
	v0 =	vmul.f32 v2, v8  }
0x140: {  	s15 =	simm.s32 $0x30;
	v4 =	vsub.f32 v9, v11;
	v7 =	vshra.s32 v14, $0x1;
	v9 =	vmul.f32 $5.000000000e-01, v14  }
0x141: {  	v15 =	vld [tilespmem:s15+$0x18200];
	v1 =	vadd.f32 v3, v1;
	v7 =	vsub.s32 $0x5F3759DF, v7;
	v0 =	vmul.f32 v0, v2  }
0x142: {  	v11 =	vld [tilespmem:s15+$0x17200];
	v3 =	vadd.f32 v12, v4;
	v10 =	vsub.f32 v10, v13;
	v12 =	vmul.f32 v7, v9  }
0x143: {  	v1 =	vmul.f32 v1, v1;
	v4 =	vld [tilespmem:s15+$0x1A200];
	v0 =	vsub.f32 $1.500000000e+00, v0  }
0x144: {  	v13 =	vld [tilespmem:s15+$0x1B200];
	v3 =	vmul.f32 v3, v3;
	v6 =	vadd.f32 v6, v10;
	v10 =	vmul.f32 v7, v12  }
0x145: {  	v12 =	vld [tilespmem:s15+$0x14200];
	v2 =	vmul.f32 v0, v2  }
0x146: {  	v1 =	vadd.f32 v3, v1;
	v3 =	vld [tilespmem:s15+$0x15200];
	v0 =	vmul.f32 v6, v6;
	v6 =	vsub.f32 $1.500000000e+00, v10  }
0x147: {  	v16 =	vld [tilespmem:s15+$0x19200];
	v8 =	vmul.f32 v2, v8  }
0x148: {  	v10 =	vld [tilespmem:s15+$0x1C200];
	v0 =	vadd.f32 v0, v1;
	v6 =	vmul.f32 v7, v6;
	v1 =	vsub.f32 v4, v11  }
0x149: {  	v4 =	vsub.f32 v13, v15;
	v8 =	vmul.f32 v8, v2  }
0x14a: {  	s19 =	simm.s32 $0x40;
	v7 =	vld [tilespmem:s15+$0x16200];
	v0 =	vmax.f32 v0, $1.000000020e-35;
	v11 =	vmul.f32 v6, v9;
	v12 =	vadd.f32 v12, v1  }
0x14b: {  	v17 =	vld [tilespmem:s19+$0x17200];
	v3 =	vadd.f32 v3, v4;
	v15 =	vshra.s32 v0, $0x1;
	v1 =	vmul.f32 $5.000000000e-01, v0  }
0x14c: {  	v13 =	vld [tilespmem:s19+$0x1A200];
	v8 =	vsub.f32 $1.500000000e+00, v8;
	v15 =	vsub.s32 $0x5F3759DF, v15;
	v11 =	vmul.f32 v11, v6  }
0x14d: {  	v18 =	vld [tilespmem:s19+$0x18200];
	v10 =	vsub.f32 v10, v16;
	v16 =	vmul.f32 v15, v1  }
0x14e: {  	v4 =	vld [tilespmem:s19+$0x1B200];
	v3 =	vmul.f32 v3, v3;
	v2 =	vmul.f32 v8, v2;
	v11 =	vsub.f32 $1.500000000e+00, v11  }
0x14f: {  	v7 =	vadd.f32 v7, v10;
	v8 =	vmul.f32 v12, v12;
	v12 =	vld [tilespmem:s19+$0x14200];
	v10 =	vmul.f32 v15, v16  }
0x150: {  	v16 =	vld [tilespmem:s19+$0x15200];
	v2 =	vmul.f32 v2, v5;
	v6 =	vmul.f32 v11, v6  }
0x151: {  	v3 =	vadd.f32 v3, v8;
	v5 =	vmul.f32 v7, v7;
	v8 =	vsub.f32 v13, v17  }
0x152: {  	v11 =	vld [tilespmem:s19+$0x19200];
	v7 =	vsub.f32 $1.500000000e+00, v10;
	v2 =	vadd.f32 v2, v2  }
0x153: {  	v4 =	vsub.f32 v4, v18;
	v10 =	vld [tilespmem:s19+$0x1C200];
	v9 =	vmul.f32 v6, v9;
	v3 =	vadd.f32 v5, v3  }
0x154: {  	v17 =	vmul.f32 v15, v7;
	v12 =	vadd.f32 v12, v8;
	v5 =	vsub.f32 $-6.931471820e-01, v2  }
0x155: {  	s20 =	simm.s32 $0x50;
	v13 =	vld [tilespmem:s19+$0x16200];
	v8 =	vmul.f32 v9, v6;
	v4 =	vadd.f32 v16, v4;
	v2 =	vmax.f32 v3, $1.000000020e-35  }
0x156: {  	v7 =	vld [tilespmem:s20+$0x1A200];
	v9 =	vmul.f32 v17, v1;
	v15 =	vshra.s32 v2, $0x1;
	v63 =	vmul.f32 $1.442695020e+00, v5  }
0x157: {  	v3 =	vmul.f32 $5.000000000e-01, v2;
	v16 =	vsub.f32 $1.500000000e+00, v8;
	v8 =	vld [tilespmem:s20+$0x17200];
	v5 =	vsub.s32 $0x5F3759DF, v15  }
0x158: {  	v19 =	vsub.f32 v10, v11;
	v11 =	vld [tilespmem:s20+$0x18200];
	v15 =	vmul.f32 v9, v17;
	(erf) = vpow2.f32 v63  }
0x159: {  	v9 =	vld [tilespmem:s20+$0x1B200];
	v20 =	vmul.f32 v5, v3;
	v6 =	vmul.f32 v16, v6  }
0x15a: {  	v4 =	vmul.f32 v4, v4;
	v10 =	vld [tilespmem:s20+$0x14200];
	v16 =	vmul.f32 v12, v12;
	v21 =	vsub.f32 $1.500000000e+00, v15  }
0x15b: {  	v15 =	vadd.f32 v13, v19;
	v12 =	vmul.f32 v5, v20;
	v13 =	vld [tilespmem:s20+$0x15200];
	v6 =	vmul.f32 v6, v14  }
0x15c: {  	s21 =	simm.s32 $0x180;
	v14 =	vadd.f32 v4, v16;
	v4 =	vmul.f32 v21, v17  }
.LBB2_5:
0x15d: {  	p0 =	sne.s32 s21, $0x3FC0;
	v15 =	vmul.f32 v15, v15;
	v12 =	vsub.f32 $1.500000000e+00, v12;
	v6 =	vadd.f32 v6, v6  }
0x15e: {  	v7 =	vsub.f32 v7, v8;
	v8 =	vsub.f32 v9, v11;
	v16 =	vld [tilespmem:s20+$0x1C200];
	v9 =	vmul.f32 v4, v1;
	v1 =	vmovc v3  }
0x15f: {  	v17 =	vld [tilespmem:s20+$0x19200];
	v3 =	vadd.f32 v15, v14;
	v18 =	vmul.f32 v5, v12;
	v15 =	vsub.f32 $-6.931471820e-01, v6  }
0x160: {  	s22 =	sshra.s32 s21, $0x2;
	v6 =	vadd.f32 v10, v7;
	v12 =	vadd.f32 v13, v8;
	v14 =	vld [tilespmem:s20+$0x16200];
	v9 =	vmul.f32 v9, v4  }
0x161: {  	v7 =	vld [tilespmem:s22+$0x1A200];
	v19 =	vmax.f32 v3, $1.000000020e-35;
	v10 =	vmul.f32 v18, v1;
	v11 =	vmul.f32 $1.442695020e+00, v15;
	v5 =	vpop (erf)  }
0x162: {  	v8 =	vld [tilespmem:s22+$0x17200];
	v13 =	vshra.s32 v19, $0x1;
	v3 =	vmul.f32 $5.000000000e-01, v19;
	v15 =	vsub.f32 $1.500000000e+00, v9;
	[tilespmem:s28+$0x1D200] =	vst v5;
	s28 =	smov.u32 s12;
	s12 =	smov.u32 s14;
	s14 =	smov.u32 s15  }
.Ltmp1:
0x163: {  	s15 =	smov.u32 s19;
	s19 =	smov.u32 s20;
	v9 =	vld [tilespmem:s22+$0x1B200];
	v5 =	vsub.s32 $0x5F3759DF, v13;
	v13 =	vmul.f32 v10, v18;
	(erf) = vpow2.f32 v11;
	(pc) =	sbr.rel @p0 .LBB2_5-.Ltmp1, $4  }
0x164: {  	s20 =	smov.u32 s22;
	v11 =	vld [tilespmem:s22+$0x18200];
	v16 =	vsub.f32 v16, v17;
	v17 =	vmul.f32 v5, v3;
	v4 =	vmul.f32 v15, v4  }
0x165: {  	v20 =	vmul.f32 v6, v6;
	v21 =	vmul.f32 v12, v12;
	v10 =	vld [tilespmem:s20+$0x14200];
	v22 =	vsub.f32 $1.500000000e+00, v13  }
0x166: {  	v13 =	vld [tilespmem:s20+$0x15200];
	v15 =	vadd.f32 v14, v16;
	v12 =	vmul.f32 v5, v17;
	v6 =	vmul.f32 v4, v0;
	v0 =	vmovc v2  }
0x167: {  	s21 =	sadd.s32 $0x40, s21;
	v14 =	vadd.f32 v21, v20;
	v2 =	vmov v19;
	v4 =	vmul.f32 v22, v18  }
0x168: {  	v16 =	vld [tilespmem:s20+$0x1C200]  }
0x169: {  	v17 =	vld [tilespmem:s20+$0x19200];
	_ =	sdelay $0x1  }
0x16a: {  	v7 =	vsub.f32 v7, v8;
	v34 =	vld [tilespmem:s20+$0x16200]  }
0x16b: {  	v9 =	vsub.f32 v9, v11  }
0x16c: {  	v7 =	vadd.f32 v10, v7  }
0x16d: {  	v9 =	vadd.f32 v13, v9;
	v35 =	vsub.f32 v16, v17;
	_ =	sdelay $0x1  }
0x16e: {  	v7 =	vmul.f32 v7, v7;
	v9 =	vmul.f32 v9, v9;
	v8 =	vadd.f32 v34, v35  }
0x16f: {  	v36 =	vmul.f32 v15, v15  }
0x170: {  	v7 =	vadd.f32 v9, v7;
	v8 =	vmul.f32 v8, v8  }
0x171: {  	v37 =	vadd.f32 v36, v14  }
0x172: {  	v7 =	vadd.f32 v8, v7  }
0x173: {  	v38 =	vmax.f32 v37, $1.000000020e-35  }
0x174: {  	v39 =	vmul.f32 $5.000000000e-01, v38;
	v9 =	vshra.s32 v38, $0x1;
	v7 =	vmax.f32 v7, $1.000000020e-35  }
0x175: {  	v9 =	vsub.s32 $0x5F3759DF, v9;
	v40 =	vshra.s32 v7, $0x1;
	v41 =	vmul.f32 $5.000000000e-01, v7  }
0x176: {  	v42 =	vmul.f32 v9, v39;
	v11 =	vsub.s32 $0x5F3759DF, v40  }
0x177: {  	v43 =	vmul.f32 v11, v41  }
0x178: {  	v14 =	vmul.f32 v9, v42  }
0x179: {  	v12 =	vsub.f32 $1.500000000e+00, v12;
	v15 =	vmul.f32 v11, v43  }
0x17a: {  	v14 =	vsub.f32 $1.500000000e+00, v14  }
0x17b: {  	v5 =	vmul.f32 v5, v12;
	v44 =	vsub.f32 $1.500000000e+00, v15  }
0x17c: {  	v9 =	vmul.f32 v9, v14  }
0x17d: {  	v45 =	vmul.f32 v5, v3;
	v11 =	vmul.f32 v11, v44  }
0x17e: {  	v46 =	vmul.f32 v9, v39  }
0x17f: {  	v14 =	vmul.f32 v45, v5;
	v47 =	vmul.f32 v11, v41  }
0x180: {  	v12 =	vmul.f32 v46, v9  }
0x181: {  	v14 =	vsub.f32 $1.500000000e+00, v14;
	v15 =	vmul.f32 v47, v11  }
0x182: {  	v12 =	vsub.f32 $1.500000000e+00, v12  }
0x183: {  	v5 =	vmul.f32 v14, v5;
	v48 =	vsub.f32 $1.500000000e+00, v15  }
0x184: {  	v1 =	vmul.f32 v4, v1;
	v9 =	vmul.f32 v12, v9  }
0x185: {  	v49 =	vmul.f32 v5, v3;
	v11 =	vmul.f32 v48, v11  }
0x186: {  	v1 =	vmul.f32 v1, v4;
	v10 =	vmul.f32 v9, v39  }
0x187: {  	v3 =	vmul.f32 v49, v5;
	v50 =	vmul.f32 v11, v41  }
0x188: {  	v1 =	vsub.f32 $1.500000000e+00, v1;
	v10 =	vmul.f32 v10, v9  }
0x189: {  	v3 =	vsub.f32 $1.500000000e+00, v3;
	v12 =	vmul.f32 v50, v11  }
0x18a: {  	v1 =	vmul.f32 v1, v4;
	v51 =	vsub.f32 $1.500000000e+00, v10  }
0x18b: {  	v3 =	vmul.f32 v3, v5;
	v52 =	vsub.f32 $1.500000000e+00, v12  }
0x18c: {  	v0 =	vmul.f32 v1, v0;
	v53 =	vmul.f32 v51, v9  }
0x18d: {  	v54 =	vadd.f32 v6, v6;
	v2 =	vmul.f32 v3, v2;
	v55 =	vmul.f32 v52, v11  }
0x18e: {  	v0 =	vadd.f32 v0, v0;
	v1 =	vmul.f32 v53, v38  }
0x18f: {  	v4 =	vsub.f32 $-6.931471820e-01, v54;
	v2 =	vadd.f32 v2, v2;
	v3 =	vmul.f32 v55, v7  }
0x190: {  	v0 =	vsub.f32 $-6.931471820e-01, v0;
	v1 =	vadd.f32 v1, v1  }
0x191: {  	v4 =	vmul.f32 $1.442695020e+00, v4;
	v2 =	vsub.f32 $-6.931471820e-01, v2;
	v3 =	vadd.f32 v3, v3  }
0x192: {  	v0 =	vmul.f32 $1.442695020e+00, v0;
	v1 =	vsub.f32 $-6.931471820e-01, v1  }
0x193: {  	(erf) = vpow2.f32 v4;
	v2 =	vmul.f32 $1.442695020e+00, v2;
	v3 =	vsub.f32 $-6.931471820e-01, v3  }
0x194: {  	(erf) = vpow2.f32 v0;
	v56 =	vmul.f32 $1.442695020e+00, v1  }
0x195: {  	(erf) = vpow2.f32 v2;
	v57 =	vmul.f32 $1.442695020e+00, v3  }
0x196: {  	(erf) = vpow2.f32 v56  }
0x197: {  	(erf) = vpow2.f32 v57;
	_ =	sdelay $0x3  }
0x198: {  	v58 =	vpop (erf)  }
0x199: {  	[tilespmem:s28+$0x1D200] =	vst v58;
	v59 =	vpop (erf)  }
0x19a: {  	[tilespmem:s12+$0x1D200] =	vst v59;
	v60 =	vpop (erf)  }
0x19b: {  	[tilespmem:s14+$0x1D200] =	vst v60;
	v61 =	vpop (erf)  }
0x19c: {  	[tilespmem:s15+$0x1D200] =	vst v61;
	v62 =	vpop (erf)  }
0x19d: {  	[tilespmem:s19+$0x1D200] =	vst v62;
	v63 =	vpop (erf)  }
0x19e: {  	s13 =	sadd.s32 $0x1, s13;
	s28 =	simm.s32 $0x1D200;
	[tilespmem:s20+$0x1D200] =	vst v63  }
0x19f: {  	[spmem:s4] =	stream.indirect.scatter.add.f32 [tilespmem:s28], [sflag:$0x3], $0x1, s26, s17, $0xb8;
	[tilespmem:$0x1E200] =	vst v63  }
0x1a0: {  	p0 =	sne.s32 s13, $0x18;
	_ =	swait.ge [sflag:s29], $0x1000  }
.Ltmp2:
0x1a1: {  	[sflag:s29] =	ssyncset.done $0x0;
	(pc) =	sbr.rel @p0 .LBB2_2-.Ltmp2, $4  }
0x1a2: {  	[sflag:s29] =	ssyncadd.s32 $0xFFFFF000  }
0x1a3: {  	_ =	swait.ge [sflag:s29], $0x1000  }
0x1a4: {  	[sflag:s29] =	ssyncset.done $0x0  }
0x1a5: {  	[sflag:s29] =	ssyncadd.s32 $0xFFFFF000  }
0x1a6: {  	s12 =	simm.s32 $0x0;
	s13 =	rddreg [dreg:$0xe]  }
0x1a7: {  	[tilespmem:s0], [sflag:$0x1] =	stream.linear.gather [hbm4b:s13+s12], $0x1000, $0x38;
	[tilespmem:$0x1E200] =	vst v63  }
0x1a8: {  	s20 =	rddreg [dreg:$0xf]  }
0x1a9: {  	[tilespmem:s5], [sflag:$0x1] =	stream.linear.gather [hbm4b:s20+s12], $0x1000, $0x38;
	[tilespmem:$0x1E200] =	vst v63  }
0x1aa: {  	s21 =	rddreg [dreg:$0x10];
	s14 =	simm.s32 $0x8200  }
0x1ab: {  	[tilespmem:s14], [sflag:$0x1] =	stream.linear.gather [hbm4b:s21+s12], $0x1000, $0x38;
	[tilespmem:$0x1E200] =	vst v63  }
0x1ac: {  	s22 =	rddreg [dreg:$0x11];
	s28 =	simm.s32 $0x9200  }
0x1ad: {  	[tilespmem:s28], [sflag:$0x1] =	stream.linear.gather [hbm4b:s22+s12], $0x1000, $0x38;
	[tilespmem:$0x1E200] =	vst v63  }
0x1ae: {  	s15 =	rddreg [dreg:$0x12];
	s19 =	simm.s32 $0xA200  }
0x1af: {  	[tilespmem:s19], [sflag:$0x1] =	stream.linear.gather [hbm4b:s15+s12], $0x1000, $0x38;
	[tilespmem:$0x1E200] =	vst v63  }
0x1b0: {  	_ =	swait.ge [sflag:s16], $0x1000  }
0x1b1: {  	[sflag:s16] =	ssyncset.done $0x0  }
0x1b2: {  	[sflag:s16] =	ssyncadd.s32 $0xFFFFF000  }
0x1b3: {  	_ =	swait.ge [sflag:s16], $0x1000  }
0x1b4: {  	[sflag:s16] =	ssyncset.done $0x0  }
0x1b5: {  	[sflag:s16] =	ssyncadd.s32 $0xFFFFF000  }
0x1b6: {  	_ =	swait.ge [sflag:s16], $0x1000  }
0x1b7: {  	[sflag:s16] =	ssyncset.done $0x0  }
0x1b8: {  	[sflag:s16] =	ssyncadd.s32 $0xFFFFF000  }
0x1b9: {  	_ =	swait.ge [sflag:s16], $0x1000  }
0x1ba: {  	[sflag:s16] =	ssyncset.done $0x0  }
0x1bb: {  	[sflag:s16] =	ssyncadd.s32 $0xFFFFF000  }
0x1bc: {  	_ =	swait.ge [sflag:s16], $0x1000  }
0x1bd: {  	[sflag:s16] =	ssyncset.done $0x0  }
0x1be: {  	s20 =	simm.s32 $0xB200;
	[sflag:s16] =	ssyncadd.s32 $0xFFFFF000  }
0x1bf: {  	[tilespmem:s20], [sflag:$0x2] =	stream.indirect.gather [spmem:s1], $0x1, s0, s17, $0xb8;
	[tilespmem:$0x1E200] =	vst v63  }
0x1c0: {  	s21 =	simm.s32 $0xC200  }
0x1c1: {  	[tilespmem:s21], [sflag:$0x2] =	stream.indirect.gather [spmem:s2], $0x1, s0, s17, $0xb8;
	[tilespmem:$0x1E200] =	vst v63  }
0x1c2: {  	s22 =	simm.s32 $0xD200  }
0x1c3: {  	[tilespmem:s22], [sflag:$0x2] =	stream.indirect.gather [spmem:s3], $0x1, s0, s17, $0xb8;
	[tilespmem:$0x1E200] =	vst v63  }
0x1c4: {  	s28 =	simm.s32 $0xE200  }
0x1c5: {  	[tilespmem:s28], [sflag:$0x2] =	stream.indirect.gather [spmem:s1], $0x1, s5, s17, $0xb8;
	[tilespmem:$0x1E200] =	vst v63  }
0x1c6: {  	_ = 	snop  }
0x1c7: {  	[tilespmem:s23], [sflag:$0x2] =	stream.indirect.gather [spmem:s2], $0x1, s5, s17, $0xb8;
	[tilespmem:$0x1E200] =	vst v63  }
0x1c8: {  	_ = 	snop  }
0x1c9: {  	[tilespmem:s24], [sflag:$0x2] =	stream.indirect.gather [spmem:s3], $0x1, s5, s17, $0xb8;
	[tilespmem:$0x1E200] =	vst v63  }
0x1ca: {  	_ =	swait.ge [sflag:s6], $0x1000  }
0x1cb: {  	[sflag:s6] =	ssyncset.done $0x0  }
0x1cc: {  	[sflag:s6] =	ssyncadd.s32 $0xFFFFF000  }
0x1cd: {  	_ =	swait.ge [sflag:s6], $0x1000  }
0x1ce: {  	[sflag:s6] =	ssyncset.done $0x0  }
0x1cf: {  	[sflag:s6] =	ssyncadd.s32 $0xFFFFF000  }
0x1d0: {  	_ =	swait.ge [sflag:s6], $0x1000  }
0x1d1: {  	[sflag:s6] =	ssyncset.done $0x0  }
0x1d2: {  	[sflag:s6] =	ssyncadd.s32 $0xFFFFF000  }
0x1d3: {  	_ =	swait.ge [sflag:s6], $0x1000  }
0x1d4: {  	[sflag:s6] =	ssyncset.done $0x0  }
0x1d5: {  	[sflag:s6] =	ssyncadd.s32 $0xFFFFF000  }
0x1d6: {  	_ =	swait.ge [sflag:s6], $0x1000  }
0x1d7: {  	[sflag:s6] =	ssyncset.done $0x0  }
0x1d8: {  	[sflag:s6] =	ssyncadd.s32 $0xFFFFF000  }
0x1d9: {  	_ =	swait.ge [sflag:s6], $0x1000  }
0x1da: {  	[sflag:s6] =	ssyncset.done $0x0  }
0x1db: {  	s13 =	simm.s32 $0x0;
	[sflag:s6] =	ssyncadd.s32 $0xFFFFF000  }
0x1dc: {  	v0 =	vld [tilespmem:s13+$0xE200]  }
0x1dd: {  	v1 =	vld [tilespmem:s13+$0xB200]  }
0x1de: {  	v2 =	vld [tilespmem:s13+$0xF200]  }
0x1df: {  	v3 =	vld [tilespmem:s13+$0xC200]  }
0x1e0: {  	v4 =	vld [tilespmem:s13+$0x8200]  }
0x1e1: {  	v6 =	vld [tilespmem:s13+$0x10200]  }
0x1e2: {  	v7 =	vld [tilespmem:s13+$0xD200]  }
0x1e3: {  	v5 =	vld [tilespmem:s13+$0x9200];
	_ =	sdelay $0x1  }
0x1e4: {  	v0 =	vsub.f32 v0, v1;
	v1 =	vld [tilespmem:s13+$0xA200]  }
0x1e5: {  	s12 =	simm.s32 $0x10;
	v2 =	vsub.f32 v2, v3  }
0x1e6: {  	v8 =	vld [tilespmem:s12+$0x8200];
	v6 =	vsub.f32 v6, v7  }
0x1e7: {  	v3 =	vld [tilespmem:s12+$0xE200];
	v0 =	vadd.f32 v4, v0;
	v2 =	vadd.f32 v5, v2  }
0x1e8: {  	v7 =	vld [tilespmem:s12+$0xC200]  }
0x1e9: {  	v4 =	vld [tilespmem:s12+$0xB200];
	v0 =	vmul.f32 v0, v0;
	v2 =	vmul.f32 v2, v2;
	v1 =	vadd.f32 v1, v6  }
0x1ea: {  	v5 =	vld [tilespmem:s12+$0xF200]  }
0x1eb: {  	v9 =	vld [tilespmem:s12+$0xD200];
	v0 =	vadd.f32 v2, v0;
	v1 =	vmul.f32 v1, v1  }
0x1ec: {  	v6 =	vld [tilespmem:s12+$0x9200]  }
0x1ed: {  	v2 =	vld [tilespmem:s12+$0x10200];
	v0 =	vadd.f32 v1, v0  }
0x1ee: {  	v1 =	vsub.f32 v3, v4  }
0x1ef: {  	v3 =	vld [tilespmem:s12+$0xA200];
	v4 =	vsub.f32 v5, v7;
	v5 =	vmax.f32 v0, $1.000000020e-35  }
0x1f0: {  	s14 =	simm.s32 $0x20;
	v0 =	vadd.f32 v8, v1;
	v7 =	vshra.s32 v5, $0x1;
	v8 =	vmul.f32 $5.000000000e-01, v5  }
0x1f1: {  	v11 =	vld [tilespmem:s14+$0xC200];
	v7 =	vsub.s32 $0x5F3759DF, v7  }
0x1f2: {  	v12 =	vld [tilespmem:s14+$0x9200];
	v4 =	vadd.f32 v6, v4;
	v2 =	vsub.f32 v2, v9;
	v10 =	vmul.f32 v7, v8  }
0x1f3: {  	v13 =	vld [tilespmem:s14+$0xD200];
	v0 =	vmul.f32 v0, v0  }
0x1f4: {  	v1 =	vld [tilespmem:s14+$0xE200];
	v4 =	vmul.f32 v4, v4;
	v2 =	vadd.f32 v3, v2;
	v10 =	vmul.f32 v7, v10  }
0x1f5: {  	v6 =	vld [tilespmem:s14+$0xB200]  }
0x1f6: {  	v9 =	vld [tilespmem:s14+$0xF200];
	v0 =	vadd.f32 v4, v0;
	v2 =	vmul.f32 v2, v2;
	v4 =	vsub.f32 $1.500000000e+00, v10  }
0x1f7: {  	v3 =	vld [tilespmem:s14+$0x8200]  }
0x1f8: {  	v10 =	vld [tilespmem:s14+$0x10200];
	v0 =	vadd.f32 v2, v0;
	v2 =	vmul.f32 v7, v4;
	_ =	sdelay $0x1  }
0x1f9: {  	v1 =	vsub.f32 v1, v6;
	v6 =	vld [tilespmem:s14+$0xA200];
	v14 =	vmax.f32 v0, $1.000000020e-35;
	v0 =	vmul.f32 v2, v8  }
0x1fa: {  	s15 =	simm.s32 $0x30;
	v4 =	vsub.f32 v9, v11;
	v7 =	vshra.s32 v14, $0x1;
	v9 =	vmul.f32 $5.000000000e-01, v14  }
0x1fb: {  	v15 =	vld [tilespmem:s15+$0xC200];
	v1 =	vadd.f32 v3, v1;
	v7 =	vsub.s32 $0x5F3759DF, v7;
	v0 =	vmul.f32 v0, v2  }
0x1fc: {  	v11 =	vld [tilespmem:s15+$0xB200];
	v3 =	vadd.f32 v12, v4;
	v10 =	vsub.f32 v10, v13;
	v12 =	vmul.f32 v7, v9  }
0x1fd: {  	v1 =	vmul.f32 v1, v1;
	v4 =	vld [tilespmem:s15+$0xE200];
	v0 =	vsub.f32 $1.500000000e+00, v0  }
0x1fe: {  	v13 =	vld [tilespmem:s15+$0xF200];
	v3 =	vmul.f32 v3, v3;
	v6 =	vadd.f32 v6, v10;
	v10 =	vmul.f32 v7, v12  }
0x1ff: {  	v12 =	vld [tilespmem:s15+$0x8200];
	v2 =	vmul.f32 v0, v2  }
0x200: {  	v1 =	vadd.f32 v3, v1;
	v3 =	vld [tilespmem:s15+$0x9200];
	v0 =	vmul.f32 v6, v6;
	v6 =	vsub.f32 $1.500000000e+00, v10  }
0x201: {  	v16 =	vld [tilespmem:s15+$0xD200];
	v8 =	vmul.f32 v2, v8  }
0x202: {  	v10 =	vld [tilespmem:s15+$0x10200];
	v0 =	vadd.f32 v0, v1;
	v6 =	vmul.f32 v7, v6;
	v1 =	vsub.f32 v4, v11  }
0x203: {  	v4 =	vsub.f32 v13, v15;
	v8 =	vmul.f32 v8, v2  }
0x204: {  	s19 =	simm.s32 $0x40;
	v7 =	vld [tilespmem:s15+$0xA200];
	v0 =	vmax.f32 v0, $1.000000020e-35;
	v11 =	vmul.f32 v6, v9;
	v12 =	vadd.f32 v12, v1  }
0x205: {  	v17 =	vld [tilespmem:s19+$0xB200];
	v3 =	vadd.f32 v3, v4;
	v15 =	vshra.s32 v0, $0x1;
	v1 =	vmul.f32 $5.000000000e-01, v0  }
0x206: {  	v13 =	vld [tilespmem:s19+$0xE200];
	v8 =	vsub.f32 $1.500000000e+00, v8;
	v15 =	vsub.s32 $0x5F3759DF, v15;
	v11 =	vmul.f32 v11, v6  }
0x207: {  	v18 =	vld [tilespmem:s19+$0xC200];
	v10 =	vsub.f32 v10, v16;
	v16 =	vmul.f32 v15, v1  }
0x208: {  	v4 =	vld [tilespmem:s19+$0xF200];
	v3 =	vmul.f32 v3, v3;
	v2 =	vmul.f32 v8, v2;
	v11 =	vsub.f32 $1.500000000e+00, v11  }
0x209: {  	v7 =	vadd.f32 v7, v10;
	v8 =	vmul.f32 v12, v12;
	v12 =	vld [tilespmem:s19+$0x8200];
	v10 =	vmul.f32 v15, v16  }
0x20a: {  	v16 =	vld [tilespmem:s19+$0x9200];
	v2 =	vmul.f32 v2, v5;
	v6 =	vmul.f32 v11, v6  }
0x20b: {  	v3 =	vadd.f32 v3, v8;
	v5 =	vmul.f32 v7, v7;
	v8 =	vsub.f32 v13, v17  }
0x20c: {  	v11 =	vld [tilespmem:s19+$0xD200];
	v7 =	vsub.f32 $1.500000000e+00, v10;
	v2 =	vadd.f32 v2, v2  }
0x20d: {  	v4 =	vsub.f32 v4, v18;
	v10 =	vld [tilespmem:s19+$0x10200];
	v9 =	vmul.f32 v6, v9;
	v3 =	vadd.f32 v5, v3  }
0x20e: {  	v17 =	vmul.f32 v15, v7;
	v12 =	vadd.f32 v12, v8;
	v5 =	vsub.f32 $-6.931471820e-01, v2  }
0x20f: {  	s20 =	simm.s32 $0x50;
	v13 =	vld [tilespmem:s19+$0xA200];
	v8 =	vmul.f32 v9, v6;
	v4 =	vadd.f32 v16, v4;
	v2 =	vmax.f32 v3, $1.000000020e-35  }
0x210: {  	v7 =	vld [tilespmem:s20+$0xE200];
	v9 =	vmul.f32 v17, v1;
	v15 =	vshra.s32 v2, $0x1;
	v63 =	vmul.f32 $1.442695020e+00, v5  }
0x211: {  	v3 =	vmul.f32 $5.000000000e-01, v2;
	v16 =	vsub.f32 $1.500000000e+00, v8;
	v8 =	vld [tilespmem:s20+$0xB200];
	v5 =	vsub.s32 $0x5F3759DF, v15  }
0x212: {  	v19 =	vsub.f32 v10, v11;
	v11 =	vld [tilespmem:s20+$0xC200];
	v15 =	vmul.f32 v9, v17;
	(erf) = vpow2.f32 v63  }
0x213: {  	v9 =	vld [tilespmem:s20+$0xF200];
	v20 =	vmul.f32 v5, v3;
	v6 =	vmul.f32 v16, v6  }
0x214: {  	v4 =	vmul.f32 v4, v4;
	v10 =	vld [tilespmem:s20+$0x8200];
	v16 =	vmul.f32 v12, v12;
	v21 =	vsub.f32 $1.500000000e+00, v15  }
0x215: {  	v15 =	vadd.f32 v13, v19;
	v12 =	vmul.f32 v5, v20;
	v13 =	vld [tilespmem:s20+$0x9200];
	v6 =	vmul.f32 v6, v14  }
0x216: {  	s21 =	simm.s32 $0x180;
	v14 =	vadd.f32 v4, v16;
	v4 =	vmul.f32 v21, v17  }
.LBB2_8:
0x217: {  	p0 =	sne.s32 s21, $0x3FC0;
	v15 =	vmul.f32 v15, v15;
	v12 =	vsub.f32 $1.500000000e+00, v12;
	v6 =	vadd.f32 v6, v6  }
0x218: {  	v7 =	vsub.f32 v7, v8;
	v8 =	vsub.f32 v9, v11;
	v16 =	vld [tilespmem:s20+$0x10200];
	v9 =	vmul.f32 v4, v1;
	v1 =	vmovc v3  }
0x219: {  	v17 =	vld [tilespmem:s20+$0xD200];
	v3 =	vadd.f32 v15, v14;
	v18 =	vmul.f32 v5, v12;
	v15 =	vsub.f32 $-6.931471820e-01, v6  }
0x21a: {  	s22 =	sshra.s32 s21, $0x2;
	v6 =	vadd.f32 v10, v7;
	v12 =	vadd.f32 v13, v8;
	v14 =	vld [tilespmem:s20+$0xA200];
	v9 =	vmul.f32 v9, v4  }
0x21b: {  	v7 =	vld [tilespmem:s22+$0xE200];
	v19 =	vmax.f32 v3, $1.000000020e-35;
	v10 =	vmul.f32 v18, v1;
	v11 =	vmul.f32 $1.442695020e+00, v15;
	v5 =	vpop (erf)  }
0x21c: {  	v8 =	vld [tilespmem:s22+$0xB200];
	v13 =	vshra.s32 v19, $0x1;
	v3 =	vmul.f32 $5.000000000e-01, v19;
	v15 =	vsub.f32 $1.500000000e+00, v9;
	[tilespmem:s13+$0x11200] =	vst v5;
	s13 =	smov.u32 s12;
	s12 =	smov.u32 s14;
	s14 =	smov.u32 s15  }
.Ltmp3:
0x21d: {  	s15 =	smov.u32 s19;
	s19 =	smov.u32 s20;
	v9 =	vld [tilespmem:s22+$0xF200];
	v5 =	vsub.s32 $0x5F3759DF, v13;
	v13 =	vmul.f32 v10, v18;
	(erf) = vpow2.f32 v11;
	(pc) =	sbr.rel @p0 .LBB2_8-.Ltmp3, $4  }
0x21e: {  	s20 =	smov.u32 s22;
	v11 =	vld [tilespmem:s22+$0xC200];
	v16 =	vsub.f32 v16, v17;
	v17 =	vmul.f32 v5, v3;
	v4 =	vmul.f32 v15, v4  }
0x21f: {  	v20 =	vmul.f32 v6, v6;
	v21 =	vmul.f32 v12, v12;
	v10 =	vld [tilespmem:s20+$0x8200];
	v22 =	vsub.f32 $1.500000000e+00, v13  }
0x220: {  	v13 =	vld [tilespmem:s20+$0x9200];
	v15 =	vadd.f32 v14, v16;
	v12 =	vmul.f32 v5, v17;
	v6 =	vmul.f32 v4, v0;
	v0 =	vmovc v2  }
0x221: {  	s21 =	sadd.s32 $0x40, s21;
	v14 =	vadd.f32 v21, v20;
	v2 =	vmov v19;
	v4 =	vmul.f32 v22, v18  }
0x222: {  	v16 =	vld [tilespmem:s20+$0x10200]  }
0x223: {  	v17 =	vld [tilespmem:s20+$0xD200];
	_ =	sdelay $0x1  }
0x224: {  	v7 =	vsub.f32 v7, v8;
	v34 =	vld [tilespmem:s20+$0xA200]  }
0x225: {  	v9 =	vsub.f32 v9, v11  }
0x226: {  	v7 =	vadd.f32 v10, v7  }
0x227: {  	v9 =	vadd.f32 v13, v9;
	v35 =	vsub.f32 v16, v17;
	_ =	sdelay $0x1  }
0x228: {  	v7 =	vmul.f32 v7, v7;
	v9 =	vmul.f32 v9, v9;
	v8 =	vadd.f32 v34, v35  }
0x229: {  	v36 =	vmul.f32 v15, v15  }
0x22a: {  	v7 =	vadd.f32 v9, v7;
	v8 =	vmul.f32 v8, v8  }
0x22b: {  	v37 =	vadd.f32 v36, v14  }
0x22c: {  	v7 =	vadd.f32 v8, v7  }
0x22d: {  	v38 =	vmax.f32 v37, $1.000000020e-35  }
0x22e: {  	v39 =	vmul.f32 $5.000000000e-01, v38;
	v9 =	vshra.s32 v38, $0x1;
	v7 =	vmax.f32 v7, $1.000000020e-35  }
0x22f: {  	v9 =	vsub.s32 $0x5F3759DF, v9;
	v40 =	vshra.s32 v7, $0x1;
	v41 =	vmul.f32 $5.000000000e-01, v7  }
0x230: {  	v42 =	vmul.f32 v9, v39;
	v11 =	vsub.s32 $0x5F3759DF, v40  }
0x231: {  	v43 =	vmul.f32 v11, v41  }
0x232: {  	v14 =	vmul.f32 v9, v42  }
0x233: {  	v12 =	vsub.f32 $1.500000000e+00, v12;
	v15 =	vmul.f32 v11, v43  }
0x234: {  	v14 =	vsub.f32 $1.500000000e+00, v14  }
0x235: {  	v5 =	vmul.f32 v5, v12;
	v44 =	vsub.f32 $1.500000000e+00, v15  }
0x236: {  	v9 =	vmul.f32 v9, v14  }
0x237: {  	v45 =	vmul.f32 v5, v3;
	v11 =	vmul.f32 v11, v44  }
0x238: {  	v46 =	vmul.f32 v9, v39  }
0x239: {  	v14 =	vmul.f32 v45, v5;
	v47 =	vmul.f32 v11, v41  }
0x23a: {  	v12 =	vmul.f32 v46, v9  }
0x23b: {  	v14 =	vsub.f32 $1.500000000e+00, v14;
	v15 =	vmul.f32 v47, v11  }
0x23c: {  	v12 =	vsub.f32 $1.500000000e+00, v12  }
0x23d: {  	v5 =	vmul.f32 v14, v5;
	v48 =	vsub.f32 $1.500000000e+00, v15  }
0x23e: {  	v1 =	vmul.f32 v4, v1;
	v9 =	vmul.f32 v12, v9  }
0x23f: {  	v49 =	vmul.f32 v5, v3;
	v11 =	vmul.f32 v48, v11  }
0x240: {  	v1 =	vmul.f32 v1, v4;
	v10 =	vmul.f32 v9, v39  }
0x241: {  	v3 =	vmul.f32 v49, v5;
	v50 =	vmul.f32 v11, v41  }
0x242: {  	v1 =	vsub.f32 $1.500000000e+00, v1;
	v10 =	vmul.f32 v10, v9  }
0x243: {  	v3 =	vsub.f32 $1.500000000e+00, v3;
	v12 =	vmul.f32 v50, v11  }
0x244: {  	v1 =	vmul.f32 v1, v4;
	v51 =	vsub.f32 $1.500000000e+00, v10  }
0x245: {  	v3 =	vmul.f32 v3, v5;
	v52 =	vsub.f32 $1.500000000e+00, v12  }
0x246: {  	v0 =	vmul.f32 v1, v0;
	v53 =	vmul.f32 v51, v9  }
0x247: {  	v54 =	vadd.f32 v6, v6;
	v2 =	vmul.f32 v3, v2;
	v55 =	vmul.f32 v52, v11  }
0x248: {  	v0 =	vadd.f32 v0, v0;
	v1 =	vmul.f32 v53, v38  }
0x249: {  	v4 =	vsub.f32 $-6.931471820e-01, v54;
	v2 =	vadd.f32 v2, v2;
	v3 =	vmul.f32 v55, v7  }
0x24a: {  	v0 =	vsub.f32 $-6.931471820e-01, v0;
	v1 =	vadd.f32 v1, v1  }
0x24b: {  	v4 =	vmul.f32 $1.442695020e+00, v4;
	v2 =	vsub.f32 $-6.931471820e-01, v2;
	v3 =	vadd.f32 v3, v3  }
0x24c: {  	v0 =	vmul.f32 $1.442695020e+00, v0;
	v1 =	vsub.f32 $-6.931471820e-01, v1  }
0x24d: {  	(erf) = vpow2.f32 v4;
	v2 =	vmul.f32 $1.442695020e+00, v2;
	v3 =	vsub.f32 $-6.931471820e-01, v3  }
0x24e: {  	(erf) = vpow2.f32 v0;
	v56 =	vmul.f32 $1.442695020e+00, v1  }
0x24f: {  	(erf) = vpow2.f32 v2;
	v57 =	vmul.f32 $1.442695020e+00, v3  }
0x250: {  	(erf) = vpow2.f32 v56  }
0x251: {  	(erf) = vpow2.f32 v57;
	_ =	sdelay $0x3  }
0x252: {  	v58 =	vpop (erf)  }
0x253: {  	[tilespmem:s13+$0x11200] =	vst v58;
	v59 =	vpop (erf)  }
0x254: {  	[tilespmem:s12+$0x11200] =	vst v59;
	v60 =	vpop (erf)  }
0x255: {  	[tilespmem:s14+$0x11200] =	vst v60;
	v61 =	vpop (erf)  }
0x256: {  	[tilespmem:s15+$0x11200] =	vst v61;
	v62 =	vpop (erf)  }
0x257: {  	[tilespmem:s19+$0x11200] =	vst v62;
	v63 =	vpop (erf)  }
0x258: {  	[tilespmem:s20+$0x11200] =	vst v63  }
0x259: {  	[spmem:s4] =	stream.indirect.scatter.add.f32 [tilespmem:s31], [sflag:$0x3], $0x1, s5, s17, $0xb8;
	[tilespmem:$0x1E200] =	vst v63  }
0x25a: {  	_ =	swait.ge [sflag:s29], $0x1000  }
0x25b: {  	[sflag:s29] =	ssyncset.done $0x0  }
0x25c: {  	[sflag:s29] =	ssyncadd.s32 $0xFFFFF000  }
0x25d: {  	[bflag:$0x0] =	sbarrier.arrive $0xFFFF  }
0x25e: {  	s20 =	rddreg [dreg:$0x9]  }
0x25f: {  	s14 =	rddreg [dreg:$0x13]  }
0x260: {  	s15 =	simm.s32 $0x20;
	s19 =	simm.s32 $0x10;
	s21 =	rddreg [dreg:$0x18]  }
0x261: {  	[hbm:s14@s15], [sflag:s20] =	dma.strided [spmem:s21@s19], $0x310, s16, $0x10   }
0x262: {  	s14 =	simm.s32 $0x4  }
0x263: {  	_ =	swait.ge [sflag:s14], $0x310  }
0x264: {  	s22 =	rddreg [dreg:$0x7]  }
0x265: {  	s28 =	rddreg [dreg:$0x14];
	s19 =	sadd.s32 $0x1, s22  }
0x266: {  	p0 =	sne.s32 s19, s28  }
.Ltmp4:
0x267: {  	_ = 	snop;
	(pc) =	sbr.rel @p0 .LBB2_1-.Ltmp4, $3  }
0x268: {  	_ =	sdelay $0x1  }
0x269: {  	[sflag:s14] =	ssyncset.done $0x0  }
0x26a: {  	[sflag:s14] =	ssyncadd.s32 $0xFFFFFCF0  }
0x26b: {  	_ =	sfence.sel $0x180000  }
0x26c: {  	[bflag:$0x0] =	sbarrier.arrive $0xFFFF  }
0x26d: {  	_ =	strace $0x90000047  }
0x26e: {  	s0 =	stileid.u32;
	[bflag:$0x2] =	sbarrier.arrive $0xFFFF  }
0x26f: {  	p0 =	sne.s32 s0, $0x0;
	s0 =	rddreg [dreg:$0x6]  }
0x270: {  	s0 =	sadd.s32 @!p0 $0x100000, s0  }
0x271: {  	[sflag:s0] =	ssyncadd.tile.s32 @!p0 $0x1;
	_ =	shalt  }
.Lfunc_end2:
_tile_overlayer_lowered:
.L_overlay_start_2:
0x272: {  	(tag) =	ssettag $0x2  }
0x273: {  	s0 =	rddreg [dreg:$0x0];
	s2 =	stileid.u32  }
0x274: {  	s1 =	rddreg [dreg:$0x1];
	p0 =	sne.s32 s2, $0x0  }
0x275: {  	s3 =	rddreg [dreg:$0x2];
	[bflag:$0x3] =	sbarrier.arrive $0xFFFF;
	s2 =	simm.s32 @!p0 $0x1C04  }
0x276: {  	[timem:s3], [sflag:s2] =	dma.local @!p0 [hbm:s0], s1  }
0x277: {  	s0 =	simm.s32 @!p0 $0x4  }
0x278: {  	_ =	swait.ge @!p0 [sflag:s0], s1  }
0x279: {  	s1 =	ssub.s32 @!p0 $0x0, s1;
	[sflag:s0] =	ssyncset.done @!p0 $0x0  }
0x27a: {  	[sflag:s0] =	ssyncadd.s32 @!p0 s1  }
0x27b: {  	[bflag:$0x3] =	sbarrier.arrive $0xFFFF  }
0x27c: {  	_ =	shalt  }

</sc_bundles>
